<compile_context>
chip_gen: v7x
topology: tpu7x:2x2x1
jax: 0.10.2.dev20260603
libtpu: 0.0.44.dev20260713+nightly
codegen_flags: <defaults>
</compile_context>

<pallas_src>
import functools

import jax
import jax.numpy as jnp
from jax import lax
from jax.experimental import pallas as pl
from jax.experimental.pallas import tpu as pltpu
from jax.experimental.pallas import tpu_sc as plsc

NC = 2
NS = 16
NW = NC * NS
LANES = 16
CH = 128

_f32 = jnp.float32
_i32 = jnp.int32


def _mesh():
    return plsc.VectorSubcoreMesh(core_axis_name="c", subcore_axis_name="s")


_SC_PARAMS = pltpu.CompilerParams(needs_layout_passes=False)


def _wid():
    return lax.axis_index("s") * NC + lax.axis_index("c")


def _deg_body(n_pad, epw, dst_hbm, out_hbm, dstbuf, acc):
    wid = _wid()

    def zero(i, _):
        acc[pl.ds(i * LANES, LANES)] = jnp.zeros((LANES,), _f32)
        return 0

    lax.fori_loop(0, n_pad // LANES, zero, 0)
    pltpu.sync_copy(dst_hbm.at[pl.ds(wid * epw, epw)], dstbuf)
    ones = jnp.ones((LANES,), _f32)

    def body(i, _):
        idx = dstbuf[pl.ds(i * LANES, LANES)]
        plsc.addupdate_scatter(acc, [idx], ones)
        return 0

    lax.fori_loop(0, epw // LANES, body, 0)
    pltpu.sync_copy(acc, out_hbm.at[wid])


def _sc_degree(dst_p, n_pad):
    epw = dst_p.shape[0] // NW
    k = functools.partial(
        pl.kernel,
        out_type=jax.ShapeDtypeStruct((NW, n_pad), _f32),
        mesh=_mesh(),
        compiler_params=_SC_PARAMS,
        scratch_types=[
            pltpu.VMEM((epw,), _i32),
            pltpu.VMEM((n_pad,), _f32),
        ],
    )(functools.partial(_deg_body, n_pad, epw))
    return k(dst_p)


def _agg_body(n_pad, cpw, hp_hbm, src_hbm, dst_hbm, zeros_hbm, out_hbm,
              srcv, dstv, rows, acc_sh, sem):
    c = lax.axis_index("c")
    s = lax.axis_index("s")
    wid = s * NC + c
    rpt = n_pad // NS
    pltpu.sync_copy(zeros_hbm, acc_sh.at[pl.ds(s * rpt, rpt)])
    plsc.subcore_barrier()

    def body(i, _):
        base = (wid * cpw + i) * CH
        pltpu.sync_copy(src_hbm.at[pl.ds(base, CH)], srcv)
        pltpu.sync_copy(dst_hbm.at[pl.ds(base, CH)], dstv)
        pltpu.async_copy(hp_hbm.at[srcv], rows, sem).wait()
        pltpu.sync_copy(rows, acc_sh.at[dstv], add=True)
        return 0

    lax.fori_loop(0, cpw, body, 0)
    plsc.subcore_barrier()
    pltpu.sync_copy(acc_sh.at[pl.ds(s * rpt, rpt)],
                    out_hbm.at[c, pl.ds(s * rpt, rpt)])


def _sc_aggregate(hp, src_p, dst_p, n_pad):
    d = hp.shape[1]
    cpw = src_p.shape[0] // (NW * CH)
    rpt = n_pad // NS
    zeros = jnp.zeros((rpt, d), _f32)
    k = functools.partial(
        pl.kernel,
        out_type=jax.ShapeDtypeStruct((NC, n_pad, d), _f32),
        mesh=_mesh(),
        compiler_params=_SC_PARAMS,
        scratch_types=[
            pltpu.VMEM((CH,), _i32),
            pltpu.VMEM((CH,), _i32),
            pltpu.VMEM((CH, d), _f32),
            pltpu.VMEM_SHARED((n_pad, d), _f32),
            pltpu.SemaphoreType.DMA,
        ],
    )(functools.partial(_agg_body, n_pad, cpw))
    return k(hp, src_p, dst_p, zeros)


def _l2_body(n, n_pad, epw, z_hbm, src_hbm, dst_hbm, out_hbm,
             ztab, srcbuf, dstbuf, acc):
    wid = _wid()

    def zero(i, _):
        acc[pl.ds(i * LANES, LANES)] = jnp.zeros((LANES,), _f32)
        return 0

    lax.fori_loop(0, n_pad // LANES, zero, 0)
    pltpu.sync_copy(z_hbm, ztab)
    pltpu.sync_copy(src_hbm.at[pl.ds(wid * epw, epw)], srcbuf)
    pltpu.sync_copy(dst_hbm.at[pl.ds(wid * epw, epw)], dstbuf)

    def body(i, _):
        si = srcbuf[pl.ds(i * LANES, LANES)]
        vals = plsc.load_gather(ztab, [si])
        di = dstbuf[pl.ds(i * LANES, LANES)]
        plsc.addupdate_scatter(acc, [di], vals)
        return 0

    lax.fori_loop(0, epw // LANES, body, 0)
    pltpu.sync_copy(acc, out_hbm.at[wid])


def _sc_l2(z, src_p, dst_p, n_pad):
    n = z.shape[0]
    epw = src_p.shape[0] // NW
    k = functools.partial(
        pl.kernel,
        out_type=jax.ShapeDtypeStruct((NW, n_pad), _f32),
        mesh=_mesh(),
        compiler_params=_SC_PARAMS,
        scratch_types=[
            pltpu.VMEM((n,), _f32),
            pltpu.VMEM((epw,), _i32),
            pltpu.VMEM((epw,), _i32),
            pltpu.VMEM((n_pad,), _f32),
        ],
    )(functools.partial(_l2_body, n, n_pad, epw))
    return k(z, src_p, dst_p)


def _tc1_body(n, x_ref, w1_ref, degp_ref, hp_ref, dinv_ref):
    deg = jnp.sum(degp_ref[...], axis=1, keepdims=True)[:n, :] + 1.0
    dinv = lax.rsqrt(deg)
    h = jnp.dot(x_ref[...], w1_ref[...], preferred_element_type=_f32)
    hp_ref[...] = h * dinv
    dinv_ref[...] = dinv


def _tc2_body(n, agg_ref, hp_ref, dinv_ref, b1_ref, w4_ref, zp_ref):
    ssum = agg_ref[0, :n, :] + agg_ref[1, :n, :] + hp_ref[...]
    h1 = jnp.maximum(ssum * dinv_ref[...] + b1_ref[...], 0.0)
    z = jnp.dot(h1, w4_ref[...], preferred_element_type=_f32)
    zp_ref[...] = z * dinv_ref[...]


def _tc3_body(n, l2p_ref, zp_ref, dinv_ref, b4_ref, out_ref):
    t = jnp.sum(l2p_ref[...], axis=1, keepdims=True)[:n, :] + zp_ref[...]
    out_ref[...] = jax.nn.sigmoid(t * dinv_ref[...] + b4_ref[...])


def kernel(x, edge_index, W1, b1, W4, b4):
    n, nf = x.shape
    hid = W1.shape[1]
    e = edge_index.shape[1]
    n_pad = ((n + NS * LANES) // (NS * LANES)) * NS * LANES
    cpw = -(-e // (NW * CH))
    e_pad = NW * CH * cpw
    pad = e_pad - e

    src = edge_index[0].astype(_i32)
    dst = edge_index[1].astype(_i32)
    src_p = jnp.concatenate([src, jnp.zeros((pad,), _i32)])
    dst_p = jnp.concatenate([dst, jnp.full((pad,), n, _i32)])

    deg_parts = _sc_degree(dst_p, n_pad).T

    hp, dinv = pl.pallas_call(
        functools.partial(_tc1_body, n),
        out_shape=(jax.ShapeDtypeStruct((n, hid), _f32),
                   jax.ShapeDtypeStruct((n, 1), _f32)),
    )(x, W1, deg_parts)

    agg = _sc_aggregate(hp, src_p, dst_p, n_pad)

    zp = pl.pallas_call(
        functools.partial(_tc2_body, n),
        out_shape=jax.ShapeDtypeStruct((n, 1), _f32),
    )(agg, hp, dinv, b1, W4)

    l2_parts = _sc_l2(zp.reshape(n), src_p, dst_p, n_pad).T

    out = pl.pallas_call(
        functools.partial(_tc3_body, n),
        out_shape=jax.ShapeDtypeStruct((n, 1), _f32),
    )(l2_parts, zp, dinv, b4)
    return out

# --- scband reference (transcript-rebuilt; emitter-appended) ---
"""Pipeline reference for scband-gcn-42271068127286 (READ-ONLY COPY).

The authoritative reference and input builder live on the scoring server;
editing this copy changes nothing except your own understanding.
"""

import jax, jax.numpy as jnp
import numpy as np

N_NODES = 10000
N_EDGES = 320000
N_FTS = 128
HID = 128


def _gcn_conv(x, src, dst, W, b, n):
    # PyG GCNConv default: add self-loops, symmetric normalization
    loop = jnp.arange(n, dtype=src.dtype)
    src = jnp.concatenate([src, loop])
    dst = jnp.concatenate([dst, loop])
    deg = jnp.zeros((n,), dtype=x.dtype).at[dst].add(1.0)
    dinv = jnp.where(deg > 0, jax.lax.rsqrt(deg), 0.0)
    norm = dinv[src] * dinv[dst]
    h = x @ W
    msgs = h[src] * norm[:, None]
    out = jnp.zeros((n, W.shape[1]), dtype=x.dtype).at[dst].add(msgs)
    return out + b


def setup_inputs(seed: int = 0) -> dict:
    key = jax.random.key(seed)
    k1, k2, k3, k4, k5, k6 = jax.random.split(key, 6)
    x = jax.random.normal(k1, (N_NODES, N_FTS), dtype=jnp.float32)
    edge_index = jax.random.randint(k2, (2, N_EDGES), 0, N_NODES, dtype=jnp.int64)
    # GCNConv weights (glorot) and biases (zeros init in PyG; use small random for non-degeneracy)
    W1 = jax.random.normal(k3, (N_FTS, HID), dtype=jnp.float32) * (1.0 / np.sqrt(N_FTS))
    b1 = jnp.zeros((HID,), dtype=jnp.float32)
    W4 = jax.random.normal(k4, (HID, 1), dtype=jnp.float32) * (1.0 / np.sqrt(HID))
    b4 = jnp.zeros((1,), dtype=jnp.float32)
    return {"x": x, "edge_index": edge_index, "W1": W1, "b1": b1, "W4": W4, "b4": b4}


def reference(x, edge_index, W1, b1, W4, b4):
    n = x.shape[0]
    src, dst = edge_index[0], edge_index[1]
    h = _gcn_conv(x, src, dst, W1, b1, n)
    h = jax.nn.relu(h)
    # dropout p=0.1 is identity in eval mode
    h = _gcn_conv(h, src, dst, W4, b4, n)
    return jax.nn.sigmoid(h)

if __name__ == "__main__":
    import jax
    _d = setup_inputs()
    print(jax.jit(kernel)(*tuple(_d.values())))

</pallas_src>

<mosaic_0001>
#map = affine_map<(d0, d1) -> (0)>
#map1 = affine_map<(d0, d1) -> (0, 0)>
module attributes {stable_mosaic.version = 14 : i64} {
  func.func @_deg_body(%arg0: i32, %arg1: i32, %arg2: memref<323584xi32, #tpu.memory_space<hbm>>, %arg3: memref<32x10240xf32, #tpu.memory_space<hbm>>, %arg4: memref<10112xi32, #tpu.memory_space<vmem>>, %arg5: memref<10240xf32, #tpu.memory_space<vmem>>) attributes {dimension_semantics = [#tpu.dimension_semantics<core_parallel>, #tpu.dimension_semantics<subcore_parallel>], iteration_bounds = array<i64: 2, 16>, scalar_prefetch = 0 : i64, scratch_operands = 2 : i64, tpu.core_type = #tpu.core_type<sc_vector_subcore>, window_params = [{transform_indices = #map}, {transform_indices = #map1}]} {
    %mul3A = arith.constant 2 : i32
    %mul3A_0 = arith.muli %arg1, %mul3A : i32
    %add3A = arith.addi %mul3A_0, %arg0 : i32
    %scan3A = arith.constant 0 : i32
    %scan3A_1 = arith.constant 0 : i32
    %scan3A_2 = arith.constant 640 : i32
    %scan3A_3 = arith.addi %scan3A_1, %scan3A_2 : i32
    %scan3A_4 = arith.constant 1 : i32
    %scan3A_5 = scf.for %scan3A_17 = %scan3A_1 to %scan3A_3 step %scan3A_4 iter_args(%scan3A_18 = %scan3A) -> (i32)  : i32 {
      %broadcast_in_dim3A_19 = arith.constant 0.000000e+00 : f32
      %broadcast_in_dim3A_20 = vector.broadcast %broadcast_in_dim3A_19 : f32 to vector<16xf32>
      %mul3A_21 = arith.constant 16 : i32
      %mul3A_22 = arith.muli %scan3A_17, %mul3A_21 : i32
      %swap3A = arith.index_cast %mul3A_22 : i32 to index
      %swap3A_23 = tpu.vector_load %arg5[%swap3A] {strides = array<i32>} : memref<10240xf32, #tpu.memory_space<vmem>>, vector<16xf32>,
      tpu.vector_store %arg5[%swap3A], %broadcast_in_dim3A_20 {strides = array<i32>} : memref<10240xf32, #tpu.memory_space<vmem>>, vector<16xf32>,
      %scan3A_24 = arith.constant 0 : i32
      scf.yield %scan3A_24 : i32
    }
    %scan3A_6 = arith.constant 640 : i32
    %mul3A_7 = arith.constant 10112 : i32
    %mul3A_8 = arith.muli %add3A, %mul3A_7 : i32
    "tpu.region"() ({
      %run_scoped3A = tpu.sem_alloc : memref<!tpu.dma_semaphore, #tpu.memory_space<semaphore_mem>>
      %dma_start3A = tpu.memref_slice %arg2[%mul3A_8] : memref<323584xi32, #tpu.memory_space<hbm>> -> memref<10112xi32, #tpu.memory_space<hbm>>
      %dma_start3A_17 = tpu.memref_slice %arg2[%mul3A_8] : memref<323584xi32, #tpu.memory_space<hbm>> -> memref<10112xi32, #tpu.memory_space<hbm>>
      tpu.enqueue_dma source(%dma_start3A_17 : memref<10112xi32, #tpu.memory_space<hbm>>) target(%arg4 : memref<10112xi32, #tpu.memory_space<vmem>>) target_semaphore(%run_scoped3A : memref<!tpu.dma_semaphore, #tpu.memory_space<semaphore_mem>>)
      %dma_wait3A = tpu.memref_slice %arg2[%mul3A_8] : memref<323584xi32, #tpu.memory_space<hbm>> -> memref<10112xi32, #tpu.memory_space<hbm>>
      %dma_wait3A_18 = tpu.memref_slice %arg2[%mul3A_8] : memref<323584xi32, #tpu.memory_space<hbm>> -> memref<10112xi32, #tpu.memory_space<hbm>>
      tpu.wait_dma2 semaphore(%run_scoped3A : memref<!tpu.dma_semaphore, #tpu.memory_space<semaphore_mem>>) src(%dma_wait3A_18 : memref<10112xi32, #tpu.memory_space<hbm>>) dst(%arg4 : memref<10112xi32, #tpu.memory_space<vmem>>)
      tpu.yield
    }) : () -> ()
    %broadcast_in_dim3A = arith.constant 1.000000e+00 : f32
    %broadcast_in_dim3A_9 = vector.broadcast %broadcast_in_dim3A : f32 to vector<16xf32>
    %scan3A_10 = arith.constant 0 : i32
    %scan3A_11 = arith.constant 0 : i32
    %scan3A_12 = arith.constant 632 : i32
    %scan3A_13 = arith.addi %scan3A_11, %scan3A_12 : i32
    %scan3A_14 = arith.constant 1 : i32
    %scan3A_15 = scf.for %scan3A_17 = %scan3A_11 to %scan3A_13 step %scan3A_14 iter_args(%scan3A_18 = %scan3A_10) -> (i32)  : i32 {
      %mul3A_19 = arith.constant 16 : i32
      %mul3A_20 = arith.muli %scan3A_17, %mul3A_19 : i32
      %get3A = arith.index_cast %mul3A_20 : i32 to index
      %get3A_21 = tpu.vector_load %arg4[%get3A] {strides = array<i32>} : memref<10112xi32, #tpu.memory_space<vmem>>, vector<16xi32>,
      tpu.vector_store_idx %arg5[%get3A_21], %broadcast_in_dim3A_9 {add = true} : memref<10240xf32, #tpu.memory_space<vmem>>[vector<16xi32>], vector<16xf32>,
      %scan3A_22 = arith.constant 0 : i32
      scf.yield %scan3A_22 : i32
    }
    %scan3A_16 = arith.constant 632 : i32
    "tpu.region"() ({
      %run_scoped3A = tpu.sem_alloc : memref<!tpu.dma_semaphore, #tpu.memory_space<semaphore_mem>>
      %dma_start3A = arith.constant 0 : i32
      %dma_start3A_17 = tpu.memref_slice %arg3[%add3A, %dma_start3A] : memref<32x10240xf32, #tpu.memory_space<hbm>> -> memref<1x10240xf32, #tpu.memory_space<hbm>>
      %dma_start3A_18 = tpu.memref_squeeze %dma_start3A_17 : memref<1x10240xf32, #tpu.memory_space<hbm>> -> memref<10240xf32, #tpu.memory_space<hbm>>
      %dma_start3A_19 = arith.constant 0 : i32
      %dma_start3A_20 = tpu.memref_slice %arg3[%add3A, %dma_start3A_19] : memref<32x10240xf32, #tpu.memory_space<hbm>> -> memref<1x10240xf32, #tpu.memory_space<hbm>>
      %dma_start3A_21 = tpu.memref_squeeze %dma_start3A_20 : memref<1x10240xf32, #tpu.memory_space<hbm>> -> memref<10240xf32, #tpu.memory_space<hbm>>
      tpu.enqueue_dma source(%arg5 : memref<10240xf32, #tpu.memory_space<vmem>>) target(%dma_start3A_21 : memref<10240xf32, #tpu.memory_space<hbm>>) target_semaphore(%run_scoped3A : memref<!tpu.dma_semaphore, #tpu.memory_space<semaphore_mem>>)
      %dma_wait3A = arith.constant 0 : i32
      %dma_wait3A_22 = tpu.memref_slice %arg3[%add3A, %dma_wait3A] : memref<32x10240xf32, #tpu.memory_space<hbm>> -> memref<1x10240xf32, #tpu.memory_space<hbm>>
      %dma_wait3A_23 = tpu.memref_squeeze %dma_wait3A_22 : memref<1x10240xf32, #tpu.memory_space<hbm>> -> memref<10240xf32, #tpu.memory_space<hbm>>
      %dma_wait3A_24 = arith.constant 0 : i32
      %dma_wait3A_25 = tpu.memref_slice %arg3[%add3A, %dma_wait3A_24] : memref<32x10240xf32, #tpu.memory_space<hbm>> -> memref<1x10240xf32, #tpu.memory_space<hbm>>
      %dma_wait3A_26 = tpu.memref_squeeze %dma_wait3A_25 : memref<1x10240xf32, #tpu.memory_space<hbm>> -> memref<10240xf32, #tpu.memory_space<hbm>>
      tpu.wait_dma2 semaphore(%run_scoped3A : memref<!tpu.dma_semaphore, #tpu.memory_space<semaphore_mem>>) src(%arg5 : memref<10240xf32, #tpu.memory_space<vmem>>) dst(%dma_wait3A_26 : memref<10240xf32, #tpu.memory_space<hbm>>)
      tpu.yield
    }) : () -> ()
    return
  }
}

#map = affine_map<(d0, d1) -> (0, 0)>
#map1 = affine_map<(d0, d1) -> (0)>
#map2 = affine_map<(d0, d1) -> (0, 0, 0)>
module attributes {stable_mosaic.version = 14 : i64} {
  func.func @_agg_body(%arg0: i32, %arg1: i32, %arg2: memref<10000x128xf32, #tpu.memory_space<hbm>>, %arg3: memref<323584xi32, #tpu.memory_space<hbm>>, %arg4: memref<323584xi32, #tpu.memory_space<hbm>>, %arg5: memref<640x128xf32, #tpu.memory_space<hbm>>, %arg6: memref<2x10240x128xf32, #tpu.memory_space<hbm>>, %arg7: memref<128xi32, #tpu.memory_space<vmem>>, %arg8: memref<128xi32, #tpu.memory_space<vmem>>, %arg9: memref<128x128xf32, #tpu.memory_space<vmem>>, %arg10: memref<10240x128xf32, #tpu.memory_space<vmem_shared>>, %arg11: memref<!tpu.dma_semaphore, #tpu.memory_space<semaphore_mem>>) attributes {dimension_semantics = [#tpu.dimension_semantics<core_parallel>, #tpu.dimension_semantics<subcore_parallel>], iteration_bounds = array<i64: 2, 16>, scalar_prefetch = 0 : i64, scratch_operands = 5 : i64, tpu.core_type = #tpu.core_type<sc_vector_subcore>, window_params = [{transform_indices = #map}, {transform_indices = #map1}, {transform_indices = #map1}, {transform_indices = #map}, {transform_indices = #map2}]} {
    %mul3A = arith.constant 2 : i32
    %mul3A_0 = arith.muli %arg1, %mul3A : i32
    %add3A = arith.addi %mul3A_0, %arg0 : i32
    %mul3A_1 = arith.constant 640 : i32
    %mul3A_2 = arith.muli %arg1, %mul3A_1 : i32
    "tpu.region"() ({
      %run_scoped3A = tpu.sem_alloc : memref<!tpu.dma_semaphore, #tpu.memory_space<semaphore_mem>>
      %dma_start3A = arith.constant 0 : i32
      %dma_start3A_14 = tpu.memref_slice %arg10[%mul3A_2, %dma_start3A] : memref<10240x128xf32, #tpu.memory_space<vmem_shared>> -> memref<640x128xf32, #tpu.memory_space<vmem_shared>>
      tpu.enqueue_dma source(%arg5 : memref<640x128xf32, #tpu.memory_space<hbm>>) target(%dma_start3A_14 : memref<640x128xf32, #tpu.memory_space<vmem_shared>>) target_semaphore(%run_scoped3A : memref<!tpu.dma_semaphore, #tpu.memory_space<semaphore_mem>>)
      %dma_wait3A = arith.constant 0 : i32
      %dma_wait3A_15 = tpu.memref_slice %arg10[%mul3A_2, %dma_wait3A] : memref<10240x128xf32, #tpu.memory_space<vmem_shared>> -> memref<640x128xf32, #tpu.memory_space<vmem_shared>>
      tpu.wait_dma2 semaphore(%run_scoped3A : memref<!tpu.dma_semaphore, #tpu.memory_space<semaphore_mem>>) src(%arg5 : memref<640x128xf32, #tpu.memory_space<hbm>>) dst(%dma_wait3A_15 : memref<640x128xf32, #tpu.memory_space<vmem_shared>>)
      tpu.yield
    }) : () -> ()
    %barrier3A = arith.constant 0 : index
    tpu.barrier barrier_id(%barrier3A)
    %scan3A = arith.constant 0 : i32
    %scan3A_3 = arith.constant 0 : i32
    %scan3A_4 = arith.constant 79 : i32
    %scan3A_5 = arith.addi %scan3A_3, %scan3A_4 : i32
    %scan3A_6 = arith.constant 1 : i32
    %scan3A_7 = scf.for %scan3A_14 = %scan3A_3 to %scan3A_5 step %scan3A_6 iter_args(%scan3A_15 = %scan3A) -> (i32)  : i32 {
      %mul3A_16 = arith.constant 79 : i32
      %mul3A_17 = arith.muli %add3A, %mul3A_16 : i32
      %add3A_18 = arith.addi %mul3A_17, %scan3A_14 : i32
      %mul3A_19 = arith.constant 128 : i32
      %mul3A_20 = arith.muli %add3A_18, %mul3A_19 : i32
      "tpu.region"() ({
        %run_scoped3A = tpu.sem_alloc : memref<!tpu.dma_semaphore, #tpu.memory_space<semaphore_mem>>
        %dma_start3A_26 = tpu.memref_slice %arg3[%mul3A_20] : memref<323584xi32, #tpu.memory_space<hbm>> -> memref<128xi32, #tpu.memory_space<hbm>>
        %dma_start3A_27 = tpu.memref_slice %arg3[%mul3A_20] : memref<323584xi32, #tpu.memory_space<hbm>> -> memref<128xi32, #tpu.memory_space<hbm>>
        tpu.enqueue_dma source(%dma_start3A_27 : memref<128xi32, #tpu.memory_space<hbm>>) target(%arg7 : memref<128xi32, #tpu.memory_space<vmem>>) target_semaphore(%run_scoped3A : memref<!tpu.dma_semaphore, #tpu.memory_space<semaphore_mem>>)
        %dma_wait3A_28 = tpu.memref_slice %arg3[%mul3A_20] : memref<323584xi32, #tpu.memory_space<hbm>> -> memref<128xi32, #tpu.memory_space<hbm>>
        %dma_wait3A_29 = tpu.memref_slice %arg3[%mul3A_20] : memref<323584xi32, #tpu.memory_space<hbm>> -> memref<128xi32, #tpu.memory_space<hbm>>
        tpu.wait_dma2 semaphore(%run_scoped3A : memref<!tpu.dma_semaphore, #tpu.memory_space<semaphore_mem>>) src(%dma_wait3A_29 : memref<128xi32, #tpu.memory_space<hbm>>) dst(%arg7 : memref<128xi32, #tpu.memory_space<vmem>>)
        tpu.yield
      }) : () -> ()
      "tpu.region"() ({
        %run_scoped3A = tpu.sem_alloc : memref<!tpu.dma_semaphore, #tpu.memory_space<semaphore_mem>>
        %dma_start3A_26 = tpu.memref_slice %arg4[%mul3A_20] : memref<323584xi32, #tpu.memory_space<hbm>> -> memref<128xi32, #tpu.memory_space<hbm>>
        %dma_start3A_27 = tpu.memref_slice %arg4[%mul3A_20] : memref<323584xi32, #tpu.memory_space<hbm>> -> memref<128xi32, #tpu.memory_space<hbm>>
        tpu.enqueue_dma source(%dma_start3A_27 : memref<128xi32, #tpu.memory_space<hbm>>) target(%arg8 : memref<128xi32, #tpu.memory_space<vmem>>) target_semaphore(%run_scoped3A : memref<!tpu.dma_semaphore, #tpu.memory_space<semaphore_mem>>)
        %dma_wait3A_28 = tpu.memref_slice %arg4[%mul3A_20] : memref<323584xi32, #tpu.memory_space<hbm>> -> memref<128xi32, #tpu.memory_space<hbm>>
        %dma_wait3A_29 = tpu.memref_slice %arg4[%mul3A_20] : memref<323584xi32, #tpu.memory_space<hbm>> -> memref<128xi32, #tpu.memory_space<hbm>>
        tpu.wait_dma2 semaphore(%run_scoped3A : memref<!tpu.dma_semaphore, #tpu.memory_space<semaphore_mem>>) src(%dma_wait3A_29 : memref<128xi32, #tpu.memory_space<hbm>>) dst(%arg8 : memref<128xi32, #tpu.memory_space<vmem>>)
        tpu.yield
      }) : () -> ()
      %dma_start3A = arith.constant 0 : i32
      %dma_start3A_21 = arith.constant 0 : i32
      %dma_start3A_22 = tpu.memref_slice %arg2[%dma_start3A, %dma_start3A_21] : memref<10000x128xf32, #tpu.memory_space<hbm>> -> memref<10000x128xf32, #tpu.memory_space<hbm>>
      tpu.enqueue_indirect_dma source(%dma_start3A_22 : memref<10000x128xf32, #tpu.memory_space<hbm>>) target(%arg9 : memref<128x128xf32, #tpu.memory_space<vmem>>) offsets(%arg7 : memref<128xi32, #tpu.memory_space<vmem>>) semaphore(%arg11 : memref<!tpu.dma_semaphore, #tpu.memory_space<semaphore_mem>>)
      %dma_wait3A = arith.constant 0 : i32
      %dma_wait3A_23 = arith.constant 0 : i32
      %dma_wait3A_24 = tpu.memref_slice %arg2[%dma_wait3A, %dma_wait3A_23] : memref<10000x128xf32, #tpu.memory_space<hbm>> -> memref<10000x128xf32, #tpu.memory_space<hbm>>
      tpu.wait_indirect_dma semaphore(%arg11 : memref<!tpu.dma_semaphore, #tpu.memory_space<semaphore_mem>>) src(%dma_wait3A_24 : memref<10000x128xf32, #tpu.memory_space<hbm>>) dst(%arg9 : memref<128x128xf32, #tpu.memory_space<vmem>>)
      "tpu.region"() ({
        %run_scoped3A = tpu.sem_alloc : memref<!tpu.dma_semaphore, #tpu.memory_space<semaphore_mem>>
        %dma_start3A_26 = arith.constant 0 : i32
        %dma_start3A_27 = arith.constant 0 : i32
        %dma_start3A_28 = tpu.memref_slice %arg10[%dma_start3A_26, %dma_start3A_27] : memref<10240x128xf32, #tpu.memory_space<vmem_shared>> -> memref<10240x128xf32, #tpu.memory_space<vmem_shared>>
        tpu.enqueue_indirect_dma source(%arg9 : memref<128x128xf32, #tpu.memory_space<vmem>>) target(%dma_start3A_28 : memref<10240x128xf32, #tpu.memory_space<vmem_shared>>) offsets(%arg8 : memref<128xi32, #tpu.memory_space<vmem>>) semaphore(%run_scoped3A : memref<!tpu.dma_semaphore, #tpu.memory_space<semaphore_mem>>) {add = true}
        %dma_wait3A_29 = arith.constant 0 : i32
        %dma_wait3A_30 = arith.constant 0 : i32
        %dma_wait3A_31 = tpu.memref_slice %arg10[%dma_wait3A_29, %dma_wait3A_30] : memref<10240x128xf32, #tpu.memory_space<vmem_shared>> -> memref<10240x128xf32, #tpu.memory_space<vmem_shared>>
        tpu.wait_indirect_dma semaphore(%run_scoped3A : memref<!tpu.dma_semaphore, #tpu.memory_space<semaphore_mem>>) src(%arg9 : memref<128x128xf32, #tpu.memory_space<vmem>>) dst(%dma_wait3A_31 : memref<10240x128xf32, #tpu.memory_space<vmem_shared>>)
        tpu.yield
      }) : () -> ()
      %scan3A_25 = arith.constant 0 : i32
      scf.yield %scan3A_25 : i32
    }
    %scan3A_8 = arith.constant 79 : i32
    %barrier3A_9 = arith.constant 0 : index
    tpu.barrier barrier_id(%barrier3A_9)
    %mul3A_10 = arith.constant 640 : i32
    %mul3A_11 = arith.muli %arg1, %mul3A_10 : i32
    %mul3A_12 = arith.constant 640 : i32
    %mul3A_13 = arith.muli %arg1, %mul3A_12 : i32
    "tpu.region"() ({
      %run_scoped3A = tpu.sem_alloc : memref<!tpu.dma_semaphore, #tpu.memory_space<semaphore_mem>>
      %dma_start3A = arith.constant 0 : i32
      %dma_start3A_14 = tpu.memref_slice %arg6[%arg0, %mul3A_13, %dma_start3A] : memref<2x10240x128xf32, #tpu.memory_space<hbm>> -> memref<1x640x128xf32, #tpu.memory_space<hbm>>
      %dma_start3A_15 = tpu.memref_squeeze %dma_start3A_14 : memref<1x640x128xf32, #tpu.memory_space<hbm>> -> memref<640x128xf32, #tpu.memory_space<hbm>>
      %dma_start3A_16 = arith.constant 0 : i32
      %dma_start3A_17 = tpu.memref_slice %arg10[%mul3A_11, %dma_start3A_16] : memref<10240x128xf32, #tpu.memory_space<vmem_shared>> -> memref<640x128xf32, #tpu.memory_space<vmem_shared>>
      tpu.enqueue_dma source(%dma_start3A_17 : memref<640x128xf32, #tpu.memory_space<vmem_shared>>) target(%dma_start3A_15 : memref<640x128xf32, #tpu.memory_space<hbm>>) target_semaphore(%run_scoped3A : memref<!tpu.dma_semaphore, #tpu.memory_space<semaphore_mem>>)
      %dma_wait3A = arith.constant 0 : i32
      %dma_wait3A_18 = tpu.memref_slice %arg6[%arg0, %mul3A_13, %dma_wait3A] : memref<2x10240x128xf32, #tpu.memory_space<hbm>> -> memref<1x640x128xf32, #tpu.memory_space<hbm>>
      %dma_wait3A_19 = tpu.memref_squeeze %dma_wait3A_18 : memref<1x640x128xf32, #tpu.memory_space<hbm>> -> memref<640x128xf32, #tpu.memory_space<hbm>>
      %dma_wait3A_20 = arith.constant 0 : i32
      %dma_wait3A_21 = tpu.memref_slice %arg10[%mul3A_11, %dma_wait3A_20] : memref<10240x128xf32, #tpu.memory_space<vmem_shared>> -> memref<640x128xf32, #tpu.memory_space<vmem_shared>>
      tpu.wait_dma2 semaphore(%run_scoped3A : memref<!tpu.dma_semaphore, #tpu.memory_space<semaphore_mem>>) src(%dma_wait3A_21 : memref<640x128xf32, #tpu.memory_space<vmem_shared>>) dst(%dma_wait3A_19 : memref<640x128xf32, #tpu.memory_space<hbm>>)
      tpu.yield
    }) : () -> ()
    return
  }
}

#map = affine_map<(d0, d1) -> (0)>
#map1 = affine_map<(d0, d1) -> (0, 0)>
module attributes {stable_mosaic.version = 14 : i64} {
  func.func @_l2_body(%arg0: i32, %arg1: i32, %arg2: memref<10000xf32, #tpu.memory_space<hbm>>, %arg3: memref<323584xi32, #tpu.memory_space<hbm>>, %arg4: memref<323584xi32, #tpu.memory_space<hbm>>, %arg5: memref<32x10240xf32, #tpu.memory_space<hbm>>, %arg6: memref<10000xf32, #tpu.memory_space<vmem>>, %arg7: memref<10112xi32, #tpu.memory_space<vmem>>, %arg8: memref<10112xi32, #tpu.memory_space<vmem>>, %arg9: memref<10240xf32, #tpu.memory_space<vmem>>) attributes {dimension_semantics = [#tpu.dimension_semantics<core_parallel>, #tpu.dimension_semantics<subcore_parallel>], iteration_bounds = array<i64: 2, 16>, scalar_prefetch = 0 : i64, scratch_operands = 4 : i64, tpu.core_type = #tpu.core_type<sc_vector_subcore>, window_params = [{transform_indices = #map}, {transform_indices = #map}, {transform_indices = #map}, {transform_indices = #map1}]} {
    %mul3A = arith.constant 2 : i32
    %mul3A_0 = arith.muli %arg1, %mul3A : i32
    %add3A = arith.addi %mul3A_0, %arg0 : i32
    %scan3A = arith.constant 0 : i32
    %scan3A_1 = arith.constant 0 : i32
    %scan3A_2 = arith.constant 640 : i32
    %scan3A_3 = arith.addi %scan3A_1, %scan3A_2 : i32
    %scan3A_4 = arith.constant 1 : i32
    %scan3A_5 = scf.for %scan3A_18 = %scan3A_1 to %scan3A_3 step %scan3A_4 iter_args(%scan3A_19 = %scan3A) -> (i32)  : i32 {
      %broadcast_in_dim3A = arith.constant 0.000000e+00 : f32
      %broadcast_in_dim3A_20 = vector.broadcast %broadcast_in_dim3A : f32 to vector<16xf32>
      %mul3A_21 = arith.constant 16 : i32
      %mul3A_22 = arith.muli %scan3A_18, %mul3A_21 : i32
      %swap3A = arith.index_cast %mul3A_22 : i32 to index
      %swap3A_23 = tpu.vector_load %arg9[%swap3A] {strides = array<i32>} : memref<10240xf32, #tpu.memory_space<vmem>>, vector<16xf32>,
      tpu.vector_store %arg9[%swap3A], %broadcast_in_dim3A_20 {strides = array<i32>} : memref<10240xf32, #tpu.memory_space<vmem>>, vector<16xf32>,
      %scan3A_24 = arith.constant 0 : i32
      scf.yield %scan3A_24 : i32
    }
    %scan3A_6 = arith.constant 640 : i32
    "tpu.region"() ({
      %run_scoped3A = tpu.sem_alloc : memref<!tpu.dma_semaphore, #tpu.memory_space<semaphore_mem>>
      tpu.enqueue_dma source(%arg2 : memref<10000xf32, #tpu.memory_space<hbm>>) target(%arg6 : memref<10000xf32, #tpu.memory_space<vmem>>) target_semaphore(%run_scoped3A : memref<!tpu.dma_semaphore, #tpu.memory_space<semaphore_mem>>)
      tpu.wait_dma2 semaphore(%run_scoped3A : memref<!tpu.dma_semaphore, #tpu.memory_space<semaphore_mem>>) src(%arg2 : memref<10000xf32, #tpu.memory_space<hbm>>) dst(%arg6 : memref<10000xf32, #tpu.memory_space<vmem>>)
      tpu.yield
    }) : () -> ()
    %mul3A_7 = arith.constant 10112 : i32
    %mul3A_8 = arith.muli %add3A, %mul3A_7 : i32
    "tpu.region"() ({
      %run_scoped3A = tpu.sem_alloc : memref<!tpu.dma_semaphore, #tpu.memory_space<semaphore_mem>>
      %dma_start3A = tpu.memref_slice %arg3[%mul3A_8] : memref<323584xi32, #tpu.memory_space<hbm>> -> memref<10112xi32, #tpu.memory_space<hbm>>
      %dma_start3A_18 = tpu.memref_slice %arg3[%mul3A_8] : memref<323584xi32, #tpu.memory_space<hbm>> -> memref<10112xi32, #tpu.memory_space<hbm>>
      tpu.enqueue_dma source(%dma_start3A_18 : memref<10112xi32, #tpu.memory_space<hbm>>) target(%arg7 : memref<10112xi32, #tpu.memory_space<vmem>>) target_semaphore(%run_scoped3A : memref<!tpu.dma_semaphore, #tpu.memory_space<semaphore_mem>>)
      %dma_wait3A = tpu.memref_slice %arg3[%mul3A_8] : memref<323584xi32, #tpu.memory_space<hbm>> -> memref<10112xi32, #tpu.memory_space<hbm>>
      %dma_wait3A_19 = tpu.memref_slice %arg3[%mul3A_8] : memref<323584xi32, #tpu.memory_space<hbm>> -> memref<10112xi32, #tpu.memory_space<hbm>>
      tpu.wait_dma2 semaphore(%run_scoped3A : memref<!tpu.dma_semaphore, #tpu.memory_space<semaphore_mem>>) src(%dma_wait3A_19 : memref<10112xi32, #tpu.memory_space<hbm>>) dst(%arg7 : memref<10112xi32, #tpu.memory_space<vmem>>)
      tpu.yield
    }) : () -> ()
    %mul3A_9 = arith.constant 10112 : i32
    %mul3A_10 = arith.muli %add3A, %mul3A_9 : i32
    "tpu.region"() ({
      %run_scoped3A = tpu.sem_alloc : memref<!tpu.dma_semaphore, #tpu.memory_space<semaphore_mem>>
      %dma_start3A = tpu.memref_slice %arg4[%mul3A_10] : memref<323584xi32, #tpu.memory_space<hbm>> -> memref<10112xi32, #tpu.memory_space<hbm>>
      %dma_start3A_18 = tpu.memref_slice %arg4[%mul3A_10] : memref<323584xi32, #tpu.memory_space<hbm>> -> memref<10112xi32, #tpu.memory_space<hbm>>
      tpu.enqueue_dma source(%dma_start3A_18 : memref<10112xi32, #tpu.memory_space<hbm>>) target(%arg8 : memref<10112xi32, #tpu.memory_space<vmem>>) target_semaphore(%run_scoped3A : memref<!tpu.dma_semaphore, #tpu.memory_space<semaphore_mem>>)
      %dma_wait3A = tpu.memref_slice %arg4[%mul3A_10] : memref<323584xi32, #tpu.memory_space<hbm>> -> memref<10112xi32, #tpu.memory_space<hbm>>
      %dma_wait3A_19 = tpu.memref_slice %arg4[%mul3A_10] : memref<323584xi32, #tpu.memory_space<hbm>> -> memref<10112xi32, #tpu.memory_space<hbm>>
      tpu.wait_dma2 semaphore(%run_scoped3A : memref<!tpu.dma_semaphore, #tpu.memory_space<semaphore_mem>>) src(%dma_wait3A_19 : memref<10112xi32, #tpu.memory_space<hbm>>) dst(%arg8 : memref<10112xi32, #tpu.memory_space<vmem>>)
      tpu.yield
    }) : () -> ()
    %scan3A_11 = arith.constant 0 : i32
    %scan3A_12 = arith.constant 0 : i32
    %scan3A_13 = arith.constant 632 : i32
    %scan3A_14 = arith.addi %scan3A_12, %scan3A_13 : i32
    %scan3A_15 = arith.constant 1 : i32
    %scan3A_16 = scf.for %scan3A_18 = %scan3A_12 to %scan3A_14 step %scan3A_15 iter_args(%scan3A_19 = %scan3A_11) -> (i32)  : i32 {
      %mul3A_20 = arith.constant 16 : i32
      %mul3A_21 = arith.muli %scan3A_18, %mul3A_20 : i32
      %get3A = arith.index_cast %mul3A_21 : i32 to index
      %get3A_22 = tpu.vector_load %arg7[%get3A] {strides = array<i32>} : memref<10112xi32, #tpu.memory_space<vmem>>, vector<16xi32>,
      %gather3A = tpu.vector_load_idx %arg6[%get3A_22] : memref<10000xf32, #tpu.memory_space<vmem>>[vector<16xi32>], vector<16xf32>,
      %mul3A_23 = arith.constant 16 : i32
      %mul3A_24 = arith.muli %scan3A_18, %mul3A_23 : i32
      %get3A_25 = arith.index_cast %mul3A_24 : i32 to index
      %get3A_26 = tpu.vector_load %arg8[%get3A_25] {strides = array<i32>} : memref<10112xi32, #tpu.memory_space<vmem>>, vector<16xi32>,
      tpu.vector_store_idx %arg9[%get3A_26], %gather3A {add = true} : memref<10240xf32, #tpu.memory_space<vmem>>[vector<16xi32>], vector<16xf32>,
      %scan3A_27 = arith.constant 0 : i32
      scf.yield %scan3A_27 : i32
    }
    %scan3A_17 = arith.constant 632 : i32
    "tpu.region"() ({
      %run_scoped3A = tpu.sem_alloc : memref<!tpu.dma_semaphore, #tpu.memory_space<semaphore_mem>>
      %dma_start3A = arith.constant 0 : i32
      %dma_start3A_18 = tpu.memref_slice %arg5[%add3A, %dma_start3A] : memref<32x10240xf32, #tpu.memory_space<hbm>> -> memref<1x10240xf32, #tpu.memory_space<hbm>>
      %dma_start3A_19 = tpu.memref_squeeze %dma_start3A_18 : memref<1x10240xf32, #tpu.memory_space<hbm>> -> memref<10240xf32, #tpu.memory_space<hbm>>
      %dma_start3A_20 = arith.constant 0 : i32
      %dma_start3A_21 = tpu.memref_slice %arg5[%add3A, %dma_start3A_20] : memref<32x10240xf32, #tpu.memory_space<hbm>> -> memref<1x10240xf32, #tpu.memory_space<hbm>>
      %dma_start3A_22 = tpu.memref_squeeze %dma_start3A_21 : memref<1x10240xf32, #tpu.memory_space<hbm>> -> memref<10240xf32, #tpu.memory_space<hbm>>
      tpu.enqueue_dma source(%arg9 : memref<10240xf32, #tpu.memory_space<vmem>>) target(%dma_start3A_22 : memref<10240xf32, #tpu.memory_space<hbm>>) target_semaphore(%run_scoped3A : memref<!tpu.dma_semaphore, #tpu.memory_space<semaphore_mem>>)
      %dma_wait3A = arith.constant 0 : i32
      %dma_wait3A_23 = tpu.memref_slice %arg5[%add3A, %dma_wait3A] : memref<32x10240xf32, #tpu.memory_space<hbm>> -> memref<1x10240xf32, #tpu.memory_space<hbm>>
      %dma_wait3A_24 = tpu.memref_squeeze %dma_wait3A_23 : memref<1x10240xf32, #tpu.memory_space<hbm>> -> memref<10240xf32, #tpu.memory_space<hbm>>
      %dma_wait3A_25 = arith.constant 0 : i32
      %dma_wait3A_26 = tpu.memref_slice %arg5[%add3A, %dma_wait3A_25] : memref<32x10240xf32, #tpu.memory_space<hbm>> -> memref<1x10240xf32, #tpu.memory_space<hbm>>
      %dma_wait3A_27 = tpu.memref_squeeze %dma_wait3A_26 : memref<1x10240xf32, #tpu.memory_space<hbm>> -> memref<10240xf32, #tpu.memory_space<hbm>>
      tpu.wait_dma2 semaphore(%run_scoped3A : memref<!tpu.dma_semaphore, #tpu.memory_space<semaphore_mem>>) src(%arg9 : memref<10240xf32, #tpu.memory_space<vmem>>) dst(%dma_wait3A_27 : memref<10240xf32, #tpu.memory_space<hbm>>)
      tpu.yield
    }) : () -> ()
    return
  }
}

module attributes {stable_mosaic.version = 14 : i64} {
  func.func @_tc1_body(%arg0: memref<10000x128xf32, #tpu.memory_space<vmem>>, %arg1: memref<128x128xf32, #tpu.memory_space<vmem>>, %arg2: memref<10240x32xf32, #tpu.memory_space<vmem>>, %arg3: memref<10000x128xf32, #tpu.memory_space<vmem>>, %arg4: memref<10000x1xf32, #tpu.memory_space<vmem>>) attributes {dimension_semantics = [], scalar_prefetch = 0 : i64, scratch_operands = 0 : i64, tpu.core_type = #tpu.core_type<tc>} {
    %get3A = arith.constant 0 : index
    %get3A_0 = arith.constant 0 : index
    %get3A_1 = vector.load %arg2[%get3A, %get3A_0] : memref<10240x32xf32, #tpu.memory_space<vmem>>, vector<10240x32xf32>
    %reduce_sum3A = arith.constant dense<0.000000e+00> : vector<10240xf32>
    %reduce_sum3A_2 = vector.multi_reduction <add>, %get3A_1, %reduce_sum3A [1] : vector<10240x32xf32> to vector<10240xf32>
    %broadcast_in_dim3A = vector.shape_cast %reduce_sum3A_2 : vector<10240xf32> to vector<10240x1xf32>
    %slice3A = vector.extract_strided_slice %broadcast_in_dim3A {offsets = [0, 0], sizes = [10000, 1], strides = [1, 1]} : vector<10240x1xf32> to vector<10000x1xf32>
    %add3A = arith.constant 1.000000e+00 : f32
    %add3A_3 = vector.broadcast %add3A : f32 to vector<10000x1xf32>
    %add3A_4 = arith.addf %slice3A, %add3A_3 : vector<10000x1xf32>
    %rsqrt3A = math.rsqrt %add3A_4 : vector<10000x1xf32>
    %get3A_5 = arith.constant 0 : index
    %get3A_6 = arith.constant 0 : index
    %get3A_7 = vector.load %arg0[%get3A_5, %get3A_6] : memref<10000x128xf32, #tpu.memory_space<vmem>>, vector<10000x128xf32>
    %get3A_8 = arith.constant 0 : index
    %get3A_9 = arith.constant 0 : index
    %get3A_10 = vector.load %arg1[%get3A_8, %get3A_9] : memref<128x128xf32, #tpu.memory_space<vmem>>, vector<128x128xf32>
    %dot_general3A = arith.constant dense<0.000000e+00> : vector<10000x128xf32>
    %dot_general3A_11 = tpu.matmul %get3A_7, %get3A_10, %dot_general3A {dimension_numbers = #tpu.dot_dimension_numbers<[1], [0], [0], [1], [0, 0, 1, 1], [], []>, transpose_lhs_hint = false} : vector<10000x128xf32>, vector<128x128xf32>, vector<10000x128xf32> -> vector<10000x128xf32>
    %mul3A = vector.broadcast %rsqrt3A : vector<10000x1xf32> to vector<10000x128xf32>
    %mul3A_12 = arith.mulf %dot_general3A_11, %mul3A : vector<10000x128xf32>
    %swap3A = arith.constant 0 : index
    %swap3A_13 = arith.constant 0 : index
    %swap3A_14 = vector.load %arg3[%swap3A, %swap3A_13] : memref<10000x128xf32, #tpu.memory_space<vmem>>, vector<10000x128xf32>
    tpu.vector_store %arg3[%swap3A, %swap3A_13], %mul3A_12 {strides = array<i32>} : memref<10000x128xf32, #tpu.memory_space<vmem>>, vector<10000x128xf32>,
    %swap3A_15 = arith.constant 0 : index
    %swap3A_16 = arith.constant 0 : index
    %swap3A_17 = vector.load %arg4[%swap3A_15, %swap3A_16] : memref<10000x1xf32, #tpu.memory_space<vmem>>, vector<10000x1xf32>
    tpu.vector_store %arg4[%swap3A_15, %swap3A_16], %rsqrt3A {strides = array<i32>} : memref<10000x1xf32, #tpu.memory_space<vmem>>, vector<10000x1xf32>,
    return
  }
}

module attributes {stable_mosaic.version = 14 : i64} {
  func.func @_tc2_body(%arg0: memref<2x10240x128xf32, #tpu.memory_space<vmem>>, %arg1: memref<10000x128xf32, #tpu.memory_space<vmem>>, %arg2: memref<10000x1xf32, #tpu.memory_space<vmem>>, %arg3: memref<128xf32, #tpu.memory_space<vmem>>, %arg4: memref<128x1xf32, #tpu.memory_space<vmem>>, %arg5: memref<10000x1xf32, #tpu.memory_space<vmem>>) attributes {dimension_semantics = [], scalar_prefetch = 0 : i64, scratch_operands = 0 : i64, tpu.core_type = #tpu.core_type<tc>} {
    %get3A = arith.constant 0 : index
    %get3A_0 = arith.constant 0 : index
    %get3A_1 = arith.constant 0 : index
    %get3A_2 = vector.load %arg0[%get3A, %get3A_0, %get3A_1] : memref<2x10240x128xf32, #tpu.memory_space<vmem>>, vector<1x10000x128xf32>
    %get3A_3 = vector.shape_cast %get3A_2 : vector<1x10000x128xf32> to vector<10000x128xf32>
    %get3A_4 = arith.constant 1 : index
    %get3A_5 = arith.constant 0 : index
    %get3A_6 = arith.constant 0 : index
    %get3A_7 = vector.load %arg0[%get3A_4, %get3A_5, %get3A_6] : memref<2x10240x128xf32, #tpu.memory_space<vmem>>, vector<1x10000x128xf32>
    %get3A_8 = vector.shape_cast %get3A_7 : vector<1x10000x128xf32> to vector<10000x128xf32>
    %add3A = arith.addf %get3A_3, %get3A_8 : vector<10000x128xf32>
    %get3A_9 = arith.constant 0 : index
    %get3A_10 = arith.constant 0 : index
    %get3A_11 = vector.load %arg1[%get3A_9, %get3A_10] : memref<10000x128xf32, #tpu.memory_space<vmem>>, vector<10000x128xf32>
    %add3A_12 = arith.addf %add3A, %get3A_11 : vector<10000x128xf32>
    %get3A_13 = arith.constant 0 : index
    %get3A_14 = arith.constant 0 : index
    %get3A_15 = vector.load %arg2[%get3A_13, %get3A_14] : memref<10000x1xf32, #tpu.memory_space<vmem>>, vector<10000x1xf32>
    %mul3A = vector.broadcast %get3A_15 : vector<10000x1xf32> to vector<10000x128xf32>
    %mul3A_16 = arith.mulf %add3A_12, %mul3A : vector<10000x128xf32>
    %get3A_17 = arith.constant 0 : index
    %get3A_18 = vector.load %arg3[%get3A_17] : memref<128xf32, #tpu.memory_space<vmem>>, vector<128xf32>
    %broadcast_in_dim3A = vector.shape_cast %get3A_18 : vector<128xf32> to vector<1x128xf32>
    %add3A_19 = vector.broadcast %broadcast_in_dim3A : vector<1x128xf32> to vector<10000x128xf32>
    %add3A_20 = arith.addf %mul3A_16, %add3A_19 : vector<10000x128xf32>
    %max3A = arith.constant 0.000000e+00 : f32
    %max3A_21 = vector.broadcast %max3A : f32 to vector<10000x128xf32>
    %max3A_22 = arith.maximumf %add3A_20, %max3A_21 : vector<10000x128xf32>
    %get3A_23 = arith.constant 0 : index
    %get3A_24 = arith.constant 0 : index
    %get3A_25 = vector.load %arg4[%get3A_23, %get3A_24] : memref<128x1xf32, #tpu.memory_space<vmem>>, vector<128x1xf32>
    %dot_general3A = arith.constant dense<0.000000e+00> : vector<10000x1xf32>
    %dot_general3A_26 = tpu.matmul %max3A_22, %get3A_25, %dot_general3A {dimension_numbers = #tpu.dot_dimension_numbers<[1], [0], [0], [1], [0, 0, 1, 1], [], []>, transpose_lhs_hint = false} : vector<10000x128xf32>, vector<128x1xf32>, vector<10000x1xf32> -> vector<10000x1xf32>
    %get3A_27 = arith.constant 0 : index
    %get3A_28 = arith.constant 0 : index
    %get3A_29 = vector.load %arg2[%get3A_27, %get3A_28] : memref<10000x1xf32, #tpu.memory_space<vmem>>, vector<10000x1xf32>
    %mul3A_30 = arith.mulf %dot_general3A_26, %get3A_29 : vector<10000x1xf32>
    %swap3A = arith.constant 0 : index
    %swap3A_31 = arith.constant 0 : index
    %swap3A_32 = vector.load %arg5[%swap3A, %swap3A_31] : memref<10000x1xf32, #tpu.memory_space<vmem>>, vector<10000x1xf32>
    tpu.vector_store %arg5[%swap3A, %swap3A_31], %mul3A_30 {strides = array<i32>} : memref<10000x1xf32, #tpu.memory_space<vmem>>, vector<10000x1xf32>,
    return
  }
}

module attributes {stable_mosaic.version = 14 : i64} {
  func.func @_tc3_body(%arg0: memref<10240x32xf32, #tpu.memory_space<vmem>>, %arg1: memref<10000x1xf32, #tpu.memory_space<vmem>>, %arg2: memref<10000x1xf32, #tpu.memory_space<vmem>>, %arg3: memref<1xf32, #tpu.memory_space<vmem>>, %arg4: memref<10000x1xf32, #tpu.memory_space<vmem>>) attributes {dimension_semantics = [], scalar_prefetch = 0 : i64, scratch_operands = 0 : i64, tpu.core_type = #tpu.core_type<tc>} {
    %get3A = arith.constant 0 : index
    %get3A_0 = arith.constant 0 : index
    %get3A_1 = vector.load %arg0[%get3A, %get3A_0] : memref<10240x32xf32, #tpu.memory_space<vmem>>, vector<10240x32xf32>
    %reduce_sum3A = arith.constant dense<0.000000e+00> : vector<10240xf32>
    %reduce_sum3A_2 = vector.multi_reduction <add>, %get3A_1, %reduce_sum3A [1] : vector<10240x32xf32> to vector<10240xf32>
    %broadcast_in_dim3A = vector.shape_cast %reduce_sum3A_2 : vector<10240xf32> to vector<10240x1xf32>
    %slice3A = vector.extract_strided_slice %broadcast_in_dim3A {offsets = [0, 0], sizes = [10000, 1], strides = [1, 1]} : vector<10240x1xf32> to vector<10000x1xf32>
    %get3A_3 = arith.constant 0 : index
    %get3A_4 = arith.constant 0 : index
    %get3A_5 = vector.load %arg1[%get3A_3, %get3A_4] : memref<10000x1xf32, #tpu.memory_space<vmem>>, vector<10000x1xf32>
    %add3A = arith.addf %slice3A, %get3A_5 : vector<10000x1xf32>
    %get3A_6 = arith.constant 0 : index
    %get3A_7 = arith.constant 0 : index
    %get3A_8 = vector.load %arg2[%get3A_6, %get3A_7] : memref<10000x1xf32, #tpu.memory_space<vmem>>, vector<10000x1xf32>
    %mul3A = arith.mulf %add3A, %get3A_8 : vector<10000x1xf32>
    %get3A_9 = arith.constant 0 : index
    %get3A_10 = vector.load %arg3[%get3A_9] : memref<1xf32, #tpu.memory_space<vmem>>, vector<1xf32>
    %broadcast_in_dim3A_11 = vector.shape_cast %get3A_10 : vector<1xf32> to vector<1x1xf32>
    %add3A_12 = vector.broadcast %broadcast_in_dim3A_11 : vector<1x1xf32> to vector<10000x1xf32>
    %add3A_13 = arith.addf %mul3A, %add3A_12 : vector<10000x1xf32>
    %logistic3A = arith.negf %add3A_13 : vector<10000x1xf32>
    %logistic3A_14 = math.exp %logistic3A : vector<10000x1xf32>
    %logistic3A_15 = arith.constant 1.000000e+00 : f32
    %logistic3A_16 = vector.broadcast %logistic3A_15 : f32 to vector<10000x1xf32>
    %logistic3A_17 = arith.addf %logistic3A_16, %logistic3A_14 : vector<10000x1xf32>
    %logistic3A_18 = arith.divf %logistic3A_16, %logistic3A_17 : vector<10000x1xf32>
    %swap3A = arith.constant 0 : index
    %swap3A_19 = arith.constant 0 : index
    %swap3A_20 = vector.load %arg4[%swap3A, %swap3A_19] : memref<10000x1xf32, #tpu.memory_space<vmem>>, vector<10000x1xf32>
    tpu.vector_store %arg4[%swap3A, %swap3A_19], %logistic3A_18 {strides = array<i32>} : memref<10000x1xf32, #tpu.memory_space<vmem>>, vector<10000x1xf32>,
    return
  }
}

</mosaic_0001>

<sc_bundles>
// kernel: kernel.11.cloned.1.call-start
scs
__scs_entry_jumppad:
0x0: {  	(pc) =	sbr.rel $0x88, $3  }
0x1: {  	(tag) =	ssettag $0x0;
	lr =	simm.s32 $0x1  }
0x2: {  	[smem:$0x3F9B] =	sst lr;
	_ =	strace $0xD0000000  }
0x3: {  	_ = 	snop  }
0x4: {  	_ = 	snop  }
0x5: {  	_ = 	snop  }
0x6: {  	_ = 	snop  }
0x7: {  	_ = 	snop  }
__scs_overlays_trampoline_lowered:
0x8: {  	[smem:$0x3FAA] =	sst s0  }
0x9: {  	[smem:$0x3FAB] =	sst s1  }
0xa: {  	[smem:$0x3FAC] =	sst s2  }
0xb: {  	[smem:$0x3FAD] =	sst s3  }
0xc: {  	[smem:$0x3FAE] =	sst s4  }
0xd: {  	[smem:$0x3FAF] =	sst s5  }
0xe: {  	[smem:$0x3FB0] =	sst s6  }
0xf: {  	[smem:$0x3FB1] =	sst s7  }
0x10: {  	[smem:$0x3FB2] =	sst s8  }
0x11: {  	[smem:$0x3FB3] =	sst s9;
	s0 =	simm.s32 @!p0 $0x0  }
0x12: {  	s1 =	sld [smem:$0x3F99];
	s0 =	simm.s32 @p0 $0x1  }
0x13: {  	[smem:$0x3FB4] =	sst s0;
	s0 =	simm.s32 @!p1 $0x0  }
0x14: {  	s2 =	sld [smem:$0x3F98];
	s0 =	simm.s32 @p1 $0x1  }
0x15: {  	[smem:$0x3FB5] =	sst s0;
	s0 =	simm.s32 @!p2 $0x0  }
0x16: {  	s3 =	sld [smem:$0x3FDB];
	s0 =	simm.s32 @p2 $0x1  }
0x17: {  	s4 =	simm.s32 $0x1BF5;
	[smem:$0x3FB7] =	sst s0  }
0x18: {  	s0 =	sld [smem:$0x3F9A];
	_ =	swait.ge [sflag:s4], $0x0  }
0x19: {  	s7 =	sld [smem:$0x3F9B]  }
0x1a: {  	s8 =	sadd.s32 $0xFFFFE003, lr  }
0x1b: {  	s9 =	sadd.s32 $0xFFFFFEF7, lr;
	s5 =	simm.s32 $0xFFFFFFFF;
	p2 =	slt.u32 s8, $0xFFFFF086  }
0x1c: {  	p1 =	slt.u32 s9, $0xF7A;
	s5 =	simm.s32 @!p2 $0x0  }
0x1d: {  	s5 =	simm.s32 @p1 $0x1;
	p0 =	seq.s32 s7, s2  }
0x1e: {  	s7 =	smul.u32 @!p0 $0xF7A, s2;
	p2 =	seq.s32 @!p0 s5, $0x0  }
0x1f: {  	s9 =	smul.u32 $0xF7A, s1;
	s8 =	simm.s32 @!p0 $0x1BF5;
	p2 =	por !p2, p0  }
0x20: {  	[sflag:s8] =	ssyncset.s32 @!p0 $0xFFFFF086;
	s6 =	sadd.s32 @!p0 s3, s7;
	s7 =	simm.s32 @!p0 $0x108  }
0x21: {  	s3 =	sadd.s32 s3, s9;
	s6 =	sadd.s32 @!p0 $0x88, s6;
	s7 =	simm.s32 @p2 $0x1082  }
0x22: {  	[simem:s7], [sflag:s8] =	dma.local @!p0 [hbm:s6], $0xF7A  }
0x23: {  	s9 =	sor.u32 $0xD0000000, s2;
	s6 =	simm.s32 $0x108;
	_ =	swait.ge @!p0 [sflag:s8], $0x0  }
0x24: {  	s3 =	sadd.s32 $0x88, s3;
	s6 =	simm.s32 @!p1 $0x1082;
	[sflag:s4] =	ssyncset.s32 $0xFFFFF086  }
0x25: {  	[simem:s6], [sflag:s4] =	dma.local [hbm:s3], $0xF7A  }
0x26: {  	[smem:$0x3F9B] =	sst s1;
	(tag) =	ssettag s2;
	_ =	strace s9  }
0x27: {  	s1 =	sld [smem:$0x3FAB]  }
0x28: {  	s2 =	sld [smem:$0x3FAC]  }
0x29: {  	s4 =	sld [smem:$0x3FAE]  }
0x2a: {  	p0 =	seq.s32 s5, $0x0;
	s5 =	sld [smem:$0x3FAF]  }
0x2b: {  	s6 =	sld [smem:$0x3FB0]  }
0x2c: {  	s7 =	sld [smem:$0x3FB1]  }
0x2d: {  	s3 =	simm.s32 $0x108;
	s8 =	sld [smem:$0x3FB2]  }
0x2e: {  	s3 =	simm.s32 @!p0 $0x1082;
	s9 =	sld [smem:$0x3FB3]  }
0x2f: {  	lr =	sadd.s32 s0, s3;
	s0 =	sld [smem:$0x3FAA]  }
0x30: {  	s3 =	sld [smem:$0x3FAD]  }
0x31: {  	[smem:$0x3FB6] =	sst s10  }
0x32: {  	s10 =	sld [smem:$0x3FB4];
	_ =	sdelay $0x3  }
0x33: {  	p0 =	seq.s32 s10, $0x1;
	s10 =	sld [smem:$0x3FB6];
	_ =	sdelay $0x3  }
0x34: {  	[smem:$0x3FB6] =	sst s10  }
0x35: {  	s10 =	sld [smem:$0x3FB5];
	_ =	sdelay $0x3  }
0x36: {  	p1 =	seq.s32 s10, $0x1;
	s10 =	sld [smem:$0x3FB6];
	_ =	sdelay $0x3  }
0x37: {  	[smem:$0x3FB6] =	sst s10  }
0x38: {  	s10 =	sld [smem:$0x3FB7]  }
0x39: {  	_ = 	snop;
	(pc) =	sbr.ind lr, $3  }
0x3a: {  	_ = 	snop  }
0x3b: {  	_ = 	snop  }
0x3c: {  	p2 =	seq.s32 s10, $0x1;
	s10 =	sld [smem:$0x3FB6]  }
0x3d: {  	_ =	shalt  }
0x3e: {  	_ =	shalt  }
0x3f: {  	_ =	shalt  }
0x40: {  	_ =	shalt  }
0x41: {  	_ =	shalt  }
0x42: {  	_ =	shalt  }
0x43: {  	_ =	shalt  }
0x44: {  	_ =	shalt  }
0x45: {  	_ =	shalt  }
0x46: {  	_ =	shalt  }
0x47: {  	_ =	shalt  }
0x48: {  	_ =	shalt  }
0x49: {  	_ =	shalt  }
0x4a: {  	_ =	shalt  }
0x4b: {  	_ =	shalt  }
0x4c: {  	_ =	shalt  }
0x4d: {  	_ =	shalt  }
0x4e: {  	_ =	shalt  }
0x4f: {  	_ =	shalt  }
0x50: {  	_ =	shalt  }
0x51: {  	_ =	shalt  }
0x52: {  	_ =	shalt  }
0x53: {  	_ =	shalt  }
0x54: {  	_ =	shalt  }
0x55: {  	_ =	shalt  }
0x56: {  	_ =	shalt  }
0x57: {  	_ =	shalt  }
0x58: {  	_ =	shalt  }
0x59: {  	_ =	shalt  }
0x5a: {  	_ =	shalt  }
0x5b: {  	_ =	shalt  }
0x5c: {  	_ =	shalt  }
0x5d: {  	_ =	shalt  }
0x5e: {  	_ =	shalt  }
0x5f: {  	_ =	shalt  }
0x60: {  	_ =	shalt  }
0x61: {  	_ =	shalt  }
0x62: {  	_ =	shalt  }
0x63: {  	_ =	shalt  }
0x64: {  	_ =	shalt  }
0x65: {  	_ =	shalt  }
0x66: {  	_ =	shalt  }
0x67: {  	_ =	shalt  }
0x68: {  	_ =	shalt  }
0x69: {  	_ =	shalt  }
0x6a: {  	_ =	shalt  }
0x6b: {  	_ =	shalt  }
0x6c: {  	_ =	shalt  }
0x6d: {  	_ =	shalt  }
0x6e: {  	_ =	shalt  }
0x6f: {  	_ =	shalt  }
0x70: {  	_ =	shalt  }
0x71: {  	_ =	shalt  }
0x72: {  	_ =	shalt  }
0x73: {  	_ =	shalt  }
0x74: {  	_ =	shalt  }
0x75: {  	_ =	shalt  }
0x76: {  	_ =	shalt  }
0x77: {  	_ =	shalt  }
0x78: {  	_ =	shalt  }
0x79: {  	_ =	shalt  }
0x7a: {  	_ =	shalt  }
0x7b: {  	_ =	shalt  }
0x7c: {  	_ =	shalt  }
0x7d: {  	_ =	shalt  }
0x7e: {  	_ =	shalt  }
0x7f: {  	_ =	shalt  }
0x80: {  	_ =	shalt  }
0x81: {  	_ =	shalt  }
0x82: {  	_ =	shalt  }
0x83: {  	_ =	shalt  }
0x84: {  	_ =	shalt  }
0x85: {  	_ =	shalt  }
0x86: {  	_ =	shalt  }
0x87: {  	_ =	shalt  }
.Lfunc_end0:
.L_simem_size_0:
called_computation.1_lowered:
.L_overlay_start_0:
0x88: {  	s2 =	sld [smem:$0x3FD9]  }
0x89: {  	s3 =	sld [smem:$0x3FFE];
	_ =	sdelay $0x1  }
0x8a: {  	s1 =	srdreg.scid  }
0x8b: {  	s0 =	sand.u32 $0x1, s1  }
0x8c: {  	s16 =	sshll.u32 s0, $0xA;
	s2 =	sadd.s32 s3, s2  }
0x8d: {  	s2 =	sadd.s32 s2, s16  }
0x8e: {  	[smem:$0x3FC2] =	sst s2  }
0x8f: {  	_ = 	snop  }
0x90: {  	(tm) =	ssettm $0x1  }
0x91: {  	s17 =	sld [smem:$0x3FFB];
	_ =	sdelay $0x3  }
0x92: {  	_ =	strace s17  }
0x93: {  	s2 =	sld [smem:$0x3FFC];
	_ =	sdelay $0x3  }
0x94: {  	_ =	strace s2  }
0x95: {  	s2 =	sld [smem:$0x3FFD];
	_ =	sdelay $0x3  }
0x96: {  	_ =	strace s2  }
0x97: {  	_ =	strace $0x8FFFFFFF  }
0x98: {  	s18 =	sld [smem:$0x3FDB];
	_ =	sdelay $0x1  }
0x99: {  	s19 =	simm.s32 $_scs_section_size  }
0x9a: {  	s4 =	simm.s32 $_size__tile_overlayer_lowered;
	s5 =	simm.s32 $_tile_overlayer_lowered  }
0x9b: {  	s22 =	simm.s32 $0x1BFF;
	s21 =	sshll.u32 s5, $0x1;
	s2 =	sadd.s32 s19, s18  }
0x9c: {  	s6 =	simm.s32 $0x0;
	s20 =	sshll.u32 s4, $0x1;
	s4 =	sadd.s32 s21, s2  }
0x9d: {  	[timem:s6], [sflag:s22] =	dma.local [hbm:s4], s20  }
0x9e: {  	_ =	swait.ge [sflag:s22], s20  }
0x9f: {  	s3 =	ssub.s32 $0x0, s20;
	[sflag:s22] =	ssyncset.done $0x0  }
0xa0: {  	[sflag:s22] =	ssyncadd.s32 s3;
	_ =	sdelay $0x1  }
0xa1: {  	s23 =	simm.s32 $0x1B8B  }
0xa2: {  	_ =	swait.ge [sflag:s23], $0x1  }
0xa3: {  	[sflag:s23] =	ssyncset.done $0x0  }
0xa4: {  	s25 =	simm.s32 $0x1B8E;
	s24 =	sld [smem:$0x3FFE];
	[sflag:s23] =	ssyncadd.s32 $0xFFFFFFFF  }
0xa5: {  	s26 =	simm.s32 $execute0_lowered;
	[smem:$0x3FD2] =	sst s25  }
0xa6: {  	s4 =	sshll.u32 s26, $0x1;
	_ =	strace $0x80000049;
	[dreg:$0x1] =	wrdreg $0xFFFFFFFF  }
0xa7: {  	s28 =	simm.s32 $_size_execute0_lowered;
	s2 =	sadd.s32 s2, s4;
	[dreg:$0x0] =	wrdreg $0x0  }
0xa8: {  	s4 =	sshll.u32 s28, $0x1;
	[dreg:$0x2] =	wrdreg s2  }
0xa9: {  	[dreg:$0x3] =	wrdreg s4  }
0xaa: {  	[dreg:$0x4] =	wrdreg $0xC0  }
0xab: {  	_ =	task [dreg:s6], $0x5FFFF  }
0xac: {  	[dreg:$0x1] =	wrdreg $0xFFFFFFFF  }
0xad: {  	[dreg:$0x0] =	wrdreg $0x60  }
0xae: {  	[dreg:$0x2] =	wrdreg s24  }
0xaf: {  	[dreg:$0x3] =	wrdreg $0x41000  }
0xb0: {  	[dreg:$0x4] =	wrdreg $0x9  }
0xb1: {  	_ =	task.clear_ibuf [dreg:s6], $0x5FFFF;
	_ =	strace $0x90000049  }
0xb2: {  	s29 =	simm.s32 $0x9;
	_ =	strace $0x8000004B  }
0xb3: {  	_ =	swait.ge [sflag:s29], $0x1  }
0xb4: {  	[sflag:s29] =	ssyncadd.s32 $0xFFFFFFFF  }
0xb5: {  	_ =	strace $0x9000004B  }
0xb6: {  	_ =	sfence  }
0xb7: {  	s30 =	sld [smem:$0x0];
	_ =	sdelay $0x2  }
0xb8: {  	s31 =	sshll.u32 s1, $0xD;
	s1 =	sshrl.u32 s1, $0x2  }
0xb9: {  	s3 =	sand.u32 $0x4000, s31;
	s1 =	sadd.s32 s1, s30  }
0xba: {  	s0 =	sor.u32 s3, s0;
	s1 =	sshll.u32 s1, $0x11  }
0xbb: {  	s0 =	sor.u32 s1, s0  }
0xbc: {  	s0 =	sadd.s32 $0x8F2B, s0  }
0xbd: {  	[sflag:s0] =	ssyncadd.remote.s32 $0x1  }
0xbe: {  	_ =	sfence.sel $0xFFFF  }
0xbf: {  	[dreg:$0x0] =	wrdreg $0xFFFFFFFF;
	(pc) =	sbr.abs _section_cstart, $3  }
0xc0: {  	[dreg:$0x1] =	wrdreg $0xFFFFFFFF  }
0xc1: {  	_ =	task.clear_ibuf [dreg:s6], $0x2FFFF;
	_ =	strace $0x9FFFFFFF  }
0xc2: {  	(tm) =	ssettm $0x7FFFFFFF  }
0xc3: {  	_ =	shalt  }
tec
execute0_lowered:
.L_overlay_start_1:
0x0: {  	(tag) =	ssettag $0x1  }
0x1: {  	s6 =	rddreg [dreg:$0x0];
	s0 =	srdreg.scid  }
0x2: {  	s2 =	rddreg [dreg:$0x1];
	s1 =	stileid.u32;
	s3 =	simm.s32 $0x0  }
0x3: {  	s14 =	simm.s32 $0x100;
	s15 =	simm.s32 $0x1;
	s8 =	smul.u32 $0x14000, s1  }
0x4: {  	s7 =	sand.u32 $0x1, s0;
	s0 =	rddreg [dreg:$0x2];
	s9 =	smul.u32 $0x9E0, s1  }
0x5: {  	s16 =	simm.s32 $0x0;
	[smem:$0x7FF] =	sst s3;
	s10 =	smul.u32 $0x50000, s1  }
0x6: {  	s4 =	sadd.s32 $0x1F400, s6;
	s30 =	sshll.u32 s1, $0x6;
	s5 =	smul.u32 $0x140000, s7  }
0x7: {  	_ =	strace $0x8000004A;
	s29 =	ssub.s32 $0x2, s7;
	s12 =	smul.u32 $0x4F0, s7  }
0x8: {  	s26 =	sadd.s32 s9, s6;
	s11 =	sshrl.u32 s29, $0x1;
	s10 =	sshrl.u32 s10, $0x2  }
0x9: {  	s5 =	sadd.s32 s8, s5;
	s11 =	ssub.s32 s29, s11;
	s13 =	sadd.s32 s10, s2  }
0xa: {  	s31 =	sadd.s32 s12, s26;
	s12 =	simm.s32 $0x2;
	s28 =	sshrl.u32 s5, $0x3  }
0xb: {  	s5 =	sadd.s32 $0xB600, s6;
	s8 =	smax.u32 s11, $0x1;
	s10 =	sadd.s32 $0x15600, s31  }
0xc: {  	s11 =	sshrl.u32 s13, $0x3;
	s13 =	simm.s32 $0x80;
	s9 =	sadd.s32 s28, s6  }
0xd: {  	s6 =	sor.u32 $0x1C02, s30;
	s7 =	sadd.s32 $0x46600, s9;
	s9 =	sadd.s32 $0x1800, s31  }
.LBB2_1:
0xe: {  	[spmem:s11], [sflag:s6] =	dma.local [hbm:s5], $0x2800  }
0xf: {  	_ =	swait.ge [sflag:s12], $0x2800  }
0x10: {  	[sflag:s12] =	ssyncset.done $0x0  }
0x11: {  	[sflag:s12] =	ssyncadd.s32 $0xFFFFD800  }
0x12: {  	s17 =	sadd.s32 $0x0, s10;
	[bflag:$0x0] =	sbarrier.arrive $0xFFFF  }
0x13: {  	[tilespmem:s3], [sflag:$0x2] =	stream.linear.gather [hbm4b:s17+s3], $0x80, $0x38;
	[tilespmem:$0x18100] =	vst v63  }
0x14: {  	_ =	swait.ge [sflag:s12], $0x80  }
0x15: {  	[sflag:s12] =	ssyncset.done $0x0  }
0x16: {  	s31 =	sadd.s32 $0x0, s9;
	[sflag:s12] =	ssyncadd.s32 $0xFFFFFF80  }
0x17: {  	[tilespmem:s13], [sflag:$0x2] =	stream.linear.gather [hbm4b:s31+s3], $0x80, $0x38;
	[tilespmem:$0x18100] =	vst v63  }
0x18: {  	_ =	swait.ge [sflag:s12], $0x80  }
0x19: {  	[sflag:s12] =	ssyncset.done $0x0  }
0x1a: {  	[sflag:s12] =	ssyncadd.s32 $0xFFFFFF80  }
0x1b: {  	[tilespmem:s14], [sflag:$0x1] =	stream.indirect.gather [hbm4b:s4+s13], $0x80, s3, s13, $0xb8;
	[tilespmem:$0x18100] =	vst v63  }
0x1c: {  	_ =	swait.ge [sflag:s15], $0x4000  }
0x1d: {  	[sflag:s15] =	ssyncset.done $0x0  }
0x1e: {  	[sflag:s15] =	ssyncadd.s32 $0xFFFFC000  }
0x1f: {  	[spmem:s2] =	stream.indirect.scatter.add.f32 [tilespmem:s14], [sflag:$0x2], $0x80, s13, s13, $0xb8;
	[tilespmem:$0x18100] =	vst v63  }
0x20: {  	_ =	swait.ge [sflag:s12], $0x4000  }
0x21: {  	s18 =	simm.s32 $0x20;
	s17 =	simm.s32 $0x10;
	[sflag:s12] =	ssyncset.done $0x0  }
.LBB2_2:
0x22: {  	s19 =	sadd.s32 s17, s10  }
0x23: {  	[sflag:s12] =	ssyncadd.s32 $0xFFFFC000;
	s20 =	smov.u32 s18;
	s21 =	sadd.s32 $0x10, s18  }
0x24: {  	[tilespmem:s3], [sflag:$0x2] =	stream.linear.gather [hbm4b:s19+s3], $0x80, $0x38;
	[tilespmem:$0x18100] =	vst v63  }
0x25: {  	p0 =	sne.s32 s18, $0x4E0;
	_ =	swait.ge [sflag:s12], $0x80  }
0x26: {  	[sflag:s12] =	ssyncset.done $0x0  }
0x27: {  	s18 =	sadd.s32 s17, s9;
	s17 =	smov.u32 s20;
	[sflag:s12] =	ssyncadd.s32 $0xFFFFFF80  }
0x28: {  	[tilespmem:s13], [sflag:$0x2] =	stream.linear.gather [hbm4b:s18+s3], $0x80, $0x38;
	[tilespmem:$0x18100] =	vst v63  }
0x29: {  	_ =	swait.ge [sflag:s12], $0x80  }
0x2a: {  	[sflag:s12] =	ssyncset.done $0x0  }
0x2b: {  	[sflag:s12] =	ssyncadd.s32 $0xFFFFFF80  }
0x2c: {  	[tilespmem:s14], [sflag:$0x1] =	stream.indirect.gather [hbm4b:s4+s13], $0x80, s3, s13, $0xb8;
	[tilespmem:$0x18100] =	vst v63  }
0x2d: {  	_ =	swait.ge [sflag:s15], $0x4000  }
.Ltmp0:
0x2e: {  	[sflag:s15] =	ssyncset.done $0x0;
	(pc) =	sbr.rel @p0 .LBB2_2-.Ltmp0, $4  }
0x2f: {  	[sflag:s15] =	ssyncadd.s32 $0xFFFFC000  }
0x30: {  	[spmem:s2] =	stream.indirect.scatter.add.f32 [tilespmem:s14], [sflag:$0x2], $0x80, s13, s13, $0xb8;
	[tilespmem:$0x18100] =	vst v63  }
0x31: {  	_ =	swait.ge [sflag:s12], $0x4000  }
0x32: {  	s18 =	smov.u32 s21;
	[sflag:s12] =	ssyncset.done $0x0  }
0x33: {  	s18 =	sadd.s32 s17, s10;
	[sflag:s12] =	ssyncadd.s32 $0xFFFFC000  }
0x34: {  	[tilespmem:s3], [sflag:$0x2] =	stream.linear.gather [hbm4b:s18+s3], $0x80, $0x38;
	[tilespmem:$0x18100] =	vst v63  }
0x35: {  	_ =	swait.ge [sflag:s12], $0x80  }
0x36: {  	[sflag:s12] =	ssyncset.done $0x0  }
0x37: {  	s31 =	sadd.s32 s17, s9;
	[sflag:s12] =	ssyncadd.s32 $0xFFFFFF80  }
0x38: {  	[tilespmem:s13], [sflag:$0x2] =	stream.linear.gather [hbm4b:s31+s3], $0x80, $0x38;
	[tilespmem:$0x18100] =	vst v63  }
0x39: {  	_ =	swait.ge [sflag:s12], $0x80  }
0x3a: {  	[sflag:s12] =	ssyncset.done $0x0  }
0x3b: {  	[sflag:s12] =	ssyncadd.s32 $0xFFFFFF80  }
0x3c: {  	[tilespmem:s14], [sflag:$0x1] =	stream.indirect.gather [hbm4b:s4+s13], $0x80, s3, s13, $0xb8;
	[tilespmem:$0x18100] =	vst v63  }
0x3d: {  	_ =	swait.ge [sflag:s15], $0x4000  }
0x3e: {  	[sflag:s15] =	ssyncset.done $0x0  }
0x3f: {  	[sflag:s15] =	ssyncadd.s32 $0xFFFFC000  }
0x40: {  	[spmem:s2] =	stream.indirect.scatter.add.f32 [tilespmem:s14], [sflag:$0x2], $0x80, s13, s13, $0xb8;
	[tilespmem:$0x18100] =	vst v63  }
0x41: {  	_ =	swait.ge [sflag:s12], $0x4000  }
0x42: {  	s16 =	sadd.s32 $0x1, s16;
	[sflag:s12] =	ssyncset.done $0x0  }
0x43: {  	p0 =	sne.s32 s16, s8;
	[sflag:s12] =	ssyncadd.s32 $0xFFFFC000  }
.Ltmp1:
0x44: {  	[bflag:$0x0] =	sbarrier.arrive $0xFFFF;
	(pc) =	sbr.rel @p0 .LBB2_1-.Ltmp1, $4  }
0x45: {  	[hbm:s7], [sflag:s6] =	dma.local [spmem:s11], $0x2800  }
0x46: {  	_ =	swait.ge [sflag:s12], $0x2800  }
0x47: {  	[sflag:s12] =	ssyncset.done $0x0  }
0x48: {  	[sflag:s12] =	ssyncadd.s32 $0xFFFFD800  }
0x49: {  	_ =	sfence.sel $0x180000  }
0x4a: {  	[bflag:$0x0] =	sbarrier.arrive $0xFFFF  }
0x4b: {  	p0 =	sne.s32 s1, $0x0;
	_ =	strace $0x9000004A  }
0x4c: {  	s0 =	sadd.s32 @!p0 $0x100000, s0;
	[bflag:$0x2] =	sbarrier.arrive $0xFFFF  }
0x4d: {  	[sflag:s0] =	ssyncadd.tile.s32 @!p0 $0x1;
	_ =	shalt  }
.Lfunc_end2:
_tile_overlayer_lowered:
.L_overlay_start_2:
0x4e: {  	(tag) =	ssettag $0x2  }
0x4f: {  	s0 =	rddreg [dreg:$0x0];
	s2 =	stileid.u32  }
0x50: {  	s1 =	rddreg [dreg:$0x1];
	p0 =	sne.s32 s2, $0x0  }
0x51: {  	s3 =	rddreg [dreg:$0x2];
	[bflag:$0x3] =	sbarrier.arrive $0xFFFF;
	s2 =	simm.s32 @!p0 $0x1C02  }
0x52: {  	[timem:s3], [sflag:s2] =	dma.local @!p0 [hbm:s0], s1  }
0x53: {  	s0 =	simm.s32 @!p0 $0x2  }
0x54: {  	_ =	swait.ge @!p0 [sflag:s0], s1  }
0x55: {  	s1 =	ssub.s32 @!p0 $0x0, s1;
	[sflag:s0] =	ssyncset.done @!p0 $0x0  }
0x56: {  	[sflag:s0] =	ssyncadd.s32 @!p0 s1  }
0x57: {  	[bflag:$0x3] =	sbarrier.arrive $0xFFFF  }
0x58: {  	_ =	shalt  }

// kernel: kernel.14.cloned.1.call-start
scs
__scs_entry_jumppad:
0x0: {  	(pc) =	sbr.rel $0x88, $3  }
0x1: {  	(tag) =	ssettag $0x0;
	lr =	simm.s32 $0x1  }
0x2: {  	[smem:$0x3F9B] =	sst lr;
	_ =	strace $0xD0000000  }
0x3: {  	_ = 	snop  }
0x4: {  	_ = 	snop  }
0x5: {  	_ = 	snop  }
0x6: {  	_ = 	snop  }
0x7: {  	_ = 	snop  }
__scs_overlays_trampoline_lowered:
0x8: {  	[smem:$0x3FAA] =	sst s0  }
0x9: {  	[smem:$0x3FAB] =	sst s1  }
0xa: {  	[smem:$0x3FAC] =	sst s2  }
0xb: {  	[smem:$0x3FAD] =	sst s3  }
0xc: {  	[smem:$0x3FAE] =	sst s4  }
0xd: {  	[smem:$0x3FAF] =	sst s5  }
0xe: {  	[smem:$0x3FB0] =	sst s6  }
0xf: {  	[smem:$0x3FB1] =	sst s7  }
0x10: {  	[smem:$0x3FB2] =	sst s8  }
0x11: {  	[smem:$0x3FB3] =	sst s9;
	s0 =	simm.s32 @!p0 $0x0  }
0x12: {  	s1 =	sld [smem:$0x3F99];
	s0 =	simm.s32 @p0 $0x1  }
0x13: {  	[smem:$0x3FB4] =	sst s0;
	s0 =	simm.s32 @!p1 $0x0  }
0x14: {  	s2 =	sld [smem:$0x3F98];
	s0 =	simm.s32 @p1 $0x1  }
0x15: {  	[smem:$0x3FB5] =	sst s0;
	s0 =	simm.s32 @!p2 $0x0  }
0x16: {  	s3 =	sld [smem:$0x3FDB];
	s0 =	simm.s32 @p2 $0x1  }
0x17: {  	s4 =	simm.s32 $0x1BF5;
	[smem:$0x3FB7] =	sst s0  }
0x18: {  	s0 =	sld [smem:$0x3F9A];
	_ =	swait.ge [sflag:s4], $0x0  }
0x19: {  	s7 =	sld [smem:$0x3F9B]  }
0x1a: {  	s8 =	sadd.s32 $0xFFFFE003, lr  }
0x1b: {  	s9 =	sadd.s32 $0xFFFFFEF7, lr;
	s5 =	simm.s32 $0xFFFFFFFF;
	p2 =	slt.u32 s8, $0xFFFFF086  }
0x1c: {  	p1 =	slt.u32 s9, $0xF7A;
	s5 =	simm.s32 @!p2 $0x0  }
0x1d: {  	s5 =	simm.s32 @p1 $0x1;
	p0 =	seq.s32 s7, s2  }
0x1e: {  	s7 =	smul.u32 @!p0 $0xF7A, s2;
	p2 =	seq.s32 @!p0 s5, $0x0  }
0x1f: {  	s9 =	smul.u32 $0xF7A, s1;
	s8 =	simm.s32 @!p0 $0x1BF5;
	p2 =	por !p2, p0  }
0x20: {  	[sflag:s8] =	ssyncset.s32 @!p0 $0xFFFFF086;
	s6 =	sadd.s32 @!p0 s3, s7;
	s7 =	simm.s32 @!p0 $0x108  }
0x21: {  	s3 =	sadd.s32 s3, s9;
	s6 =	sadd.s32 @!p0 $0x88, s6;
	s7 =	simm.s32 @p2 $0x1082  }
0x22: {  	[simem:s7], [sflag:s8] =	dma.local @!p0 [hbm:s6], $0xF7A  }
0x23: {  	s9 =	sor.u32 $0xD0000000, s2;
	s6 =	simm.s32 $0x108;
	_ =	swait.ge @!p0 [sflag:s8], $0x0  }
0x24: {  	s3 =	sadd.s32 $0x88, s3;
	s6 =	simm.s32 @!p1 $0x1082;
	[sflag:s4] =	ssyncset.s32 $0xFFFFF086  }
0x25: {  	[simem:s6], [sflag:s4] =	dma.local [hbm:s3], $0xF7A  }
0x26: {  	[smem:$0x3F9B] =	sst s1;
	(tag) =	ssettag s2;
	_ =	strace s9  }
0x27: {  	s1 =	sld [smem:$0x3FAB]  }
0x28: {  	s2 =	sld [smem:$0x3FAC]  }
0x29: {  	s4 =	sld [smem:$0x3FAE]  }
0x2a: {  	p0 =	seq.s32 s5, $0x0;
	s5 =	sld [smem:$0x3FAF]  }
0x2b: {  	s6 =	sld [smem:$0x3FB0]  }
0x2c: {  	s7 =	sld [smem:$0x3FB1]  }
0x2d: {  	s3 =	simm.s32 $0x108;
	s8 =	sld [smem:$0x3FB2]  }
0x2e: {  	s3 =	simm.s32 @!p0 $0x1082;
	s9 =	sld [smem:$0x3FB3]  }
0x2f: {  	lr =	sadd.s32 s0, s3;
	s0 =	sld [smem:$0x3FAA]  }
0x30: {  	s3 =	sld [smem:$0x3FAD]  }
0x31: {  	[smem:$0x3FB6] =	sst s10  }
0x32: {  	s10 =	sld [smem:$0x3FB4];
	_ =	sdelay $0x3  }
0x33: {  	p0 =	seq.s32 s10, $0x1;
	s10 =	sld [smem:$0x3FB6];
	_ =	sdelay $0x3  }
0x34: {  	[smem:$0x3FB6] =	sst s10  }
0x35: {  	s10 =	sld [smem:$0x3FB5];
	_ =	sdelay $0x3  }
0x36: {  	p1 =	seq.s32 s10, $0x1;
	s10 =	sld [smem:$0x3FB6];
	_ =	sdelay $0x3  }
0x37: {  	[smem:$0x3FB6] =	sst s10  }
0x38: {  	s10 =	sld [smem:$0x3FB7]  }
0x39: {  	_ = 	snop;
	(pc) =	sbr.ind lr, $3  }
0x3a: {  	_ = 	snop  }
0x3b: {  	_ = 	snop  }
0x3c: {  	p2 =	seq.s32 s10, $0x1;
	s10 =	sld [smem:$0x3FB6]  }
0x3d: {  	_ =	shalt  }
0x3e: {  	_ =	shalt  }
0x3f: {  	_ =	shalt  }
0x40: {  	_ =	shalt  }
0x41: {  	_ =	shalt  }
0x42: {  	_ =	shalt  }
0x43: {  	_ =	shalt  }
0x44: {  	_ =	shalt  }
0x45: {  	_ =	shalt  }
0x46: {  	_ =	shalt  }
0x47: {  	_ =	shalt  }
0x48: {  	_ =	shalt  }
0x49: {  	_ =	shalt  }
0x4a: {  	_ =	shalt  }
0x4b: {  	_ =	shalt  }
0x4c: {  	_ =	shalt  }
0x4d: {  	_ =	shalt  }
0x4e: {  	_ =	shalt  }
0x4f: {  	_ =	shalt  }
0x50: {  	_ =	shalt  }
0x51: {  	_ =	shalt  }
0x52: {  	_ =	shalt  }
0x53: {  	_ =	shalt  }
0x54: {  	_ =	shalt  }
0x55: {  	_ =	shalt  }
0x56: {  	_ =	shalt  }
0x57: {  	_ =	shalt  }
0x58: {  	_ =	shalt  }
0x59: {  	_ =	shalt  }
0x5a: {  	_ =	shalt  }
0x5b: {  	_ =	shalt  }
0x5c: {  	_ =	shalt  }
0x5d: {  	_ =	shalt  }
0x5e: {  	_ =	shalt  }
0x5f: {  	_ =	shalt  }
0x60: {  	_ =	shalt  }
0x61: {  	_ =	shalt  }
0x62: {  	_ =	shalt  }
0x63: {  	_ =	shalt  }
0x64: {  	_ =	shalt  }
0x65: {  	_ =	shalt  }
0x66: {  	_ =	shalt  }
0x67: {  	_ =	shalt  }
0x68: {  	_ =	shalt  }
0x69: {  	_ =	shalt  }
0x6a: {  	_ =	shalt  }
0x6b: {  	_ =	shalt  }
0x6c: {  	_ =	shalt  }
0x6d: {  	_ =	shalt  }
0x6e: {  	_ =	shalt  }
0x6f: {  	_ =	shalt  }
0x70: {  	_ =	shalt  }
0x71: {  	_ =	shalt  }
0x72: {  	_ =	shalt  }
0x73: {  	_ =	shalt  }
0x74: {  	_ =	shalt  }
0x75: {  	_ =	shalt  }
0x76: {  	_ =	shalt  }
0x77: {  	_ =	shalt  }
0x78: {  	_ =	shalt  }
0x79: {  	_ =	shalt  }
0x7a: {  	_ =	shalt  }
0x7b: {  	_ =	shalt  }
0x7c: {  	_ =	shalt  }
0x7d: {  	_ =	shalt  }
0x7e: {  	_ =	shalt  }
0x7f: {  	_ =	shalt  }
0x80: {  	_ =	shalt  }
0x81: {  	_ =	shalt  }
0x82: {  	_ =	shalt  }
0x83: {  	_ =	shalt  }
0x84: {  	_ =	shalt  }
0x85: {  	_ =	shalt  }
0x86: {  	_ =	shalt  }
0x87: {  	_ =	shalt  }
.Lfunc_end0:
.L_simem_size_0:
called_computation.2_lowered:
.L_overlay_start_0:
0x88: {  	s2 =	sld [smem:$0x3FD9]  }
0x89: {  	s3 =	sld [smem:$0x3FFE];
	_ =	sdelay $0x1  }
0x8a: {  	s1 =	srdreg.scid  }
0x8b: {  	s0 =	sand.u32 $0x1, s1  }
0x8c: {  	s16 =	sshll.u32 s0, $0xA;
	s2 =	sadd.s32 s3, s2  }
0x8d: {  	s2 =	sadd.s32 s2, s16  }
0x8e: {  	[smem:$0x3FC2] =	sst s2  }
0x8f: {  	_ = 	snop  }
0x90: {  	(tm) =	ssettm $0x1  }
0x91: {  	s17 =	sld [smem:$0x3FFB];
	_ =	sdelay $0x3  }
0x92: {  	_ =	strace s17  }
0x93: {  	s2 =	sld [smem:$0x3FFC];
	_ =	sdelay $0x3  }
0x94: {  	_ =	strace s2  }
0x95: {  	s2 =	sld [smem:$0x3FFD];
	_ =	sdelay $0x3  }
0x96: {  	_ =	strace s2  }
0x97: {  	_ =	strace $0x8FFFFFFF  }
0x98: {  	s18 =	sld [smem:$0x3FDB];
	_ =	sdelay $0x1  }
0x99: {  	s19 =	simm.s32 $_scs_section_size  }
0x9a: {  	s4 =	simm.s32 $_size__tile_overlayer_lowered;
	s5 =	simm.s32 $_tile_overlayer_lowered  }
0x9b: {  	s22 =	simm.s32 $0x1BFF;
	s21 =	sshll.u32 s5, $0x1;
	s2 =	sadd.s32 s19, s18  }
0x9c: {  	s6 =	simm.s32 $0x0;
	s20 =	sshll.u32 s4, $0x1;
	s4 =	sadd.s32 s21, s2  }
0x9d: {  	[timem:s6], [sflag:s22] =	dma.local [hbm:s4], s20  }
0x9e: {  	_ =	swait.ge [sflag:s22], s20  }
0x9f: {  	s3 =	ssub.s32 $0x0, s20;
	[sflag:s22] =	ssyncset.done $0x0  }
0xa0: {  	[sflag:s22] =	ssyncadd.s32 s3;
	_ =	sdelay $0x1  }
0xa1: {  	s23 =	simm.s32 $0x1B8B  }
0xa2: {  	_ =	swait.ge [sflag:s23], $0x1  }
0xa3: {  	[sflag:s23] =	ssyncset.done $0x0  }
0xa4: {  	s25 =	simm.s32 $0x1B8E;
	s24 =	sld [smem:$0x3FFE];
	[sflag:s23] =	ssyncadd.s32 $0xFFFFFFFF  }
0xa5: {  	s26 =	simm.s32 $execute0_lowered;
	[smem:$0x3FD2] =	sst s25  }
0xa6: {  	s4 =	sshll.u32 s26, $0x1;
	_ =	strace $0x8000004C;
	[dreg:$0x1] =	wrdreg $0xFFFFFFFF  }
0xa7: {  	s28 =	simm.s32 $_size_execute0_lowered;
	s2 =	sadd.s32 s2, s4;
	[dreg:$0x0] =	wrdreg $0x0  }
0xa8: {  	s4 =	sshll.u32 s28, $0x1;
	[dreg:$0x2] =	wrdreg s2  }
0xa9: {  	[dreg:$0x3] =	wrdreg s4  }
0xaa: {  	[dreg:$0x4] =	wrdreg $0xC0  }
0xab: {  	_ =	task [dreg:s6], $0x5FFFF  }
0xac: {  	[dreg:$0x1] =	wrdreg $0xFFFFFFFF  }
0xad: {  	[dreg:$0x0] =	wrdreg $0x60  }
0xae: {  	[dreg:$0x2] =	wrdreg s24  }
0xaf: {  	[dreg:$0x3] =	wrdreg $0x9  }
0xb0: {  	_ =	task.clear_ibuf [dreg:s6], $0x4FFFF;
	_ =	strace $0x9000004C  }
0xb1: {  	s29 =	simm.s32 $0x9;
	_ =	strace $0x8000004E  }
0xb2: {  	_ =	swait.ge [sflag:s29], $0x1  }
0xb3: {  	[sflag:s29] =	ssyncadd.s32 $0xFFFFFFFF  }
0xb4: {  	_ =	strace $0x9000004E  }
0xb5: {  	_ =	sfence  }
0xb6: {  	s30 =	sld [smem:$0x0];
	_ =	sdelay $0x2  }
0xb7: {  	s31 =	sshll.u32 s1, $0xD;
	s1 =	sshrl.u32 s1, $0x2  }
0xb8: {  	s3 =	sand.u32 $0x4000, s31;
	s1 =	sadd.s32 s1, s30  }
0xb9: {  	s0 =	sor.u32 s3, s0;
	s1 =	sshll.u32 s1, $0x11  }
0xba: {  	s0 =	sor.u32 s1, s0  }
0xbb: {  	s0 =	sadd.s32 $0x8F2B, s0  }
0xbc: {  	[sflag:s0] =	ssyncadd.remote.s32 $0x1  }
0xbd: {  	_ =	sfence.sel $0xFFFF  }
0xbe: {  	[dreg:$0x0] =	wrdreg $0xFFFFFFFF;
	(pc) =	sbr.abs _section_cstart, $3  }
0xbf: {  	[dreg:$0x1] =	wrdreg $0xFFFFFFFF  }
0xc0: {  	_ =	task.clear_ibuf [dreg:s6], $0x2FFFF;
	_ =	strace $0x9FFFFFFF  }
0xc1: {  	(tm) =	ssettm $0x7FFFFFFF  }
tec
execute0_lowered:
.L_overlay_start_1:
0x0: {  	(tag) =	ssettag $0x1  }
0x1: {  	s1 =	srdreg.scid  }
0x2: {  	s0 =	stileid.u32;
	s4 =	rddreg [dreg:$0x0];
	s9 =	simm.s32 $0x2780  }
0x3: {  	s10 =	simm.s32 $0x4F00;
	s11 =	simm.s32 $0x7680;
	s12 =	simm.s32 $0x80  }
0x4: {  	s13 =	simm.s32 $0x400;
	s14 =	simm.s32 $0x0;
	s5 =	sand.u32 $0x1, s1  }
0x5: {  	s2 =	sshll.u32 s0, $0x1;
	s1 =	rddreg [dreg:$0x1];
	s6 =	sshrl.u32 s0, $0x2  }
0x6: {  	s3 =	sor.u32 s5, s2;
	s2 =	simm.s32 $0x0;
	s6 =	smul.u32 $0x14000, s6  }
0x7: {  	s5 =	ssub.s32 $0x2, s5;
	s7 =	sshll.u32 s3, $0x7;
	[smem:$0x7FF] =	sst s2  }
0x8: {  	s8 =	smul.u32 $0x4F0, s3;
	s3 =	sadd.s32 $0xB600, s4;
	s7 =	sand.u32 $0x380, s7  }
0x9: {  	s30 =	sshrl.u32 s5, $0x1;
	_ =	strace $0x8000004D;
	s6 =	sor.u32 s6, s7  }
0xa: {  	s31 =	ssub.s32 s5, s30;
	s29 =	sadd.s32 s8, s4;
	s6 =	sshrl.u32 s6, $0x3  }
0xb: {  	s7 =	smax.u32 s31, $0x1;
	s8 =	simm.s32 $0x1;
	s6 =	sadd.s32 s6, s4  }
0xc: {  	v0 =	vimm.f32 $0.0e+00;
	s5 =	sadd.s32 $0x1800, s29;
	s4 =	sadd.s32 $0x15600, s29;
	s6 =	sadd.s32 $0x1F400, s6  }
.LBB2_1:
0xd: {  	s15 =	simm.s32 $0x40;
	s16 =	simm.s32 $0x0  }
.LBB2_2:
0xe: {  	p0 =	sne.s32 s15, $0x9FC0;
	[tilespmem:s16+$0x7680] =	vst v0;
	s16 =	smov.u32 s15;
	s15 =	sadd.s32 $0x40, s15  }
.Ltmp0:
0xf: {  	(pc) =	sbr.rel @p0 .LBB2_2-.Ltmp0, $2  }
0x10: {  	_ =	sdelay $0x2  }
0x11: {  	s16 =	sshra.s32 s16, $0x2  }
0x12: {  	[tilespmem:s16+$0x7680] =	vst v0;
	s15 =	simm.s32 $0x0  }
0x13: {  	[tilespmem:s15], [sflag:$0x1] =	stream.linear.gather [hbm4b:s3+s15], $0x2780, $0x38;
	[tilespmem:$0x9E80] =	vst v63  }
0x14: {  	_ =	swait.ge [sflag:s8], $0x2780  }
0x15: {  	[sflag:s8] =	ssyncset.done $0x0  }
0x16: {  	[sflag:s8] =	ssyncadd.s32 $0xFFFFD880  }
0x17: {  	[tilespmem:s9], [sflag:$0x1] =	stream.linear.gather [hbm4b:s4+s15], $0x2780, $0x38;
	[tilespmem:$0x9E80] =	vst v63  }
0x18: {  	_ =	swait.ge [sflag:s8], $0x2780  }
0x19: {  	[sflag:s8] =	ssyncset.done $0x0  }
0x1a: {  	[sflag:s8] =	ssyncadd.s32 $0xFFFFD880  }
0x1b: {  	[tilespmem:s10], [sflag:$0x1] =	stream.linear.gather [hbm4b:s5+s15], $0x2780, $0x38;
	[tilespmem:$0x9E80] =	vst v63  }
0x1c: {  	_ =	swait.ge [sflag:s8], $0x2780  }
0x1d: {  	[sflag:s8] =	ssyncset.done $0x0  }
0x1e: {  	s16 =	simm.s32 $0x0;
	s15 =	simm.s32 $0x40;
	[sflag:s8] =	ssyncadd.s32 $0xFFFFD880  }
.LBB2_4:
0x1f: {  	p0 =	sne.s32 s15, $0x9DC0;
	v1 =	vld [tilespmem:s16+$0x2780];
	_ =	sdelay $0x5  }
0x20: {  	v2 =	vld [tilespmem:s16+$0x4F00];
	_ =	sdelay $0x1  }
0x21: {  	v1 =	vld.idx.msk [tilespmem:v1+s2+$0x0], $0xffff;
	_ =	sdelay $0x1  }
.Ltmp1:
0x22: {  	(pc) =	sbr.rel @p0 .LBB2_4-.Ltmp1, $2  }
0x23: {  	_ =	sdelay $0x2  }
0x24: {  	s16 =	sshra.s32 s15, $0x2;
	s15 =	sadd.s32 $0x40, s15;
	[tilespmem:v2+s11+$0x0] =	vst.idx.add.f32.msk $0xffff, v1  }
0x25: {  	v1 =	vld [tilespmem:s16+$0x2780];
	_ =	sdelay $0x4  }
0x26: {  	v2 =	vld [tilespmem:s16+$0x4F00];
	_ =	sdelay $0x2  }
0x27: {  	v1 =	vld.idx.msk [tilespmem:v1+s2+$0x0], $0xffff;
	_ =	sdelay $0x2  }
0x28: {  	s14 =	sadd.s32 $0x1, s14  }
0x29: {  	p0 =	sne.s32 s14, s7  }
.Ltmp2:
0x2a: {  	[tilespmem:v2+s11+$0x0] =	vst.idx.add.f32.msk $0xffff, v1;
	(pc) =	sbr.rel @p0 .LBB2_1-.Ltmp2, $4  }
0x2b: {  	[hbm4b:s6+s12] =	stream.strided.scatter [tilespmem:s11], [sflag:$0x1], $0x2800, s13, s12, $0x38;
	[tilespmem:$0x9E80] =	vst v63  }
0x2c: {  	_ =	swait.ge [sflag:s8], $0x2800  }
0x2d: {  	[sflag:s8] =	ssyncset.done $0x0  }
0x2e: {  	[sflag:s8] =	ssyncadd.s32 $0xFFFFD800  }
0x2f: {  	_ =	sfence.sel $0x180000  }
0x30: {  	[bflag:$0x0] =	sbarrier.arrive $0xFFFF  }
0x31: {  	p0 =	sne.s32 s0, $0x0;
	_ =	strace $0x9000004D  }
0x32: {  	s0 =	sadd.s32 @!p0 $0x100000, s1;
	[bflag:$0x2] =	sbarrier.arrive $0xFFFF  }
0x33: {  	[sflag:s0] =	ssyncadd.tile.s32 @!p0 $0x1;
	_ =	shalt  }
.Lfunc_end2:
_tile_overlayer_lowered:
.L_overlay_start_2:
0x34: {  	(tag) =	ssettag $0x2  }
0x35: {  	s0 =	rddreg [dreg:$0x0];
	s2 =	stileid.u32  }
0x36: {  	s1 =	rddreg [dreg:$0x1];
	p0 =	sne.s32 s2, $0x0  }
0x37: {  	s3 =	rddreg [dreg:$0x2];
	[bflag:$0x3] =	sbarrier.arrive $0xFFFF;
	s2 =	simm.s32 @!p0 $0x1C01  }
0x38: {  	[timem:s3], [sflag:s2] =	dma.local @!p0 [hbm:s0], s1  }
0x39: {  	s0 =	simm.s32 @!p0 $0x1  }
0x3a: {  	_ =	swait.ge @!p0 [sflag:s0], s1  }
0x3b: {  	s1 =	ssub.s32 @!p0 $0x0, s1;
	[sflag:s0] =	ssyncset.done @!p0 $0x0  }
0x3c: {  	[sflag:s0] =	ssyncadd.s32 @!p0 s1  }
0x3d: {  	[bflag:$0x3] =	sbarrier.arrive $0xFFFF  }
0x3e: {  	_ =	shalt  }

// kernel: kernel.8.cloned.1.call-start
scs
__scs_entry_jumppad:
0x0: {  	(pc) =	sbr.rel $0x88, $3  }
0x1: {  	(tag) =	ssettag $0x0;
	lr =	simm.s32 $0x1  }
0x2: {  	[smem:$0x3F9B] =	sst lr;
	_ =	strace $0xD0000000  }
0x3: {  	_ = 	snop  }
0x4: {  	_ = 	snop  }
0x5: {  	_ = 	snop  }
0x6: {  	_ = 	snop  }
0x7: {  	_ = 	snop  }
__scs_overlays_trampoline_lowered:
0x8: {  	[smem:$0x3FAA] =	sst s0  }
0x9: {  	[smem:$0x3FAB] =	sst s1  }
0xa: {  	[smem:$0x3FAC] =	sst s2  }
0xb: {  	[smem:$0x3FAD] =	sst s3  }
0xc: {  	[smem:$0x3FAE] =	sst s4  }
0xd: {  	[smem:$0x3FAF] =	sst s5  }
0xe: {  	[smem:$0x3FB0] =	sst s6  }
0xf: {  	[smem:$0x3FB1] =	sst s7  }
0x10: {  	[smem:$0x3FB2] =	sst s8  }
0x11: {  	[smem:$0x3FB3] =	sst s9;
	s0 =	simm.s32 @!p0 $0x0  }
0x12: {  	s1 =	sld [smem:$0x3F99];
	s0 =	simm.s32 @p0 $0x1  }
0x13: {  	[smem:$0x3FB4] =	sst s0;
	s0 =	simm.s32 @!p1 $0x0  }
0x14: {  	s2 =	sld [smem:$0x3F98];
	s0 =	simm.s32 @p1 $0x1  }
0x15: {  	[smem:$0x3FB5] =	sst s0;
	s0 =	simm.s32 @!p2 $0x0  }
0x16: {  	s3 =	sld [smem:$0x3FDB];
	s0 =	simm.s32 @p2 $0x1  }
0x17: {  	s4 =	simm.s32 $0x1BF5;
	[smem:$0x3FB7] =	sst s0  }
0x18: {  	s0 =	sld [smem:$0x3F9A];
	_ =	swait.ge [sflag:s4], $0x0  }
0x19: {  	s7 =	sld [smem:$0x3F9B]  }
0x1a: {  	s8 =	sadd.s32 $0xFFFFE003, lr  }
0x1b: {  	s9 =	sadd.s32 $0xFFFFFEF7, lr;
	s5 =	simm.s32 $0xFFFFFFFF;
	p2 =	slt.u32 s8, $0xFFFFF086  }
0x1c: {  	p1 =	slt.u32 s9, $0xF7A;
	s5 =	simm.s32 @!p2 $0x0  }
0x1d: {  	s5 =	simm.s32 @p1 $0x1;
	p0 =	seq.s32 s7, s2  }
0x1e: {  	s7 =	smul.u32 @!p0 $0xF7A, s2;
	p2 =	seq.s32 @!p0 s5, $0x0  }
0x1f: {  	s9 =	smul.u32 $0xF7A, s1;
	s8 =	simm.s32 @!p0 $0x1BF5;
	p2 =	por !p2, p0  }
0x20: {  	[sflag:s8] =	ssyncset.s32 @!p0 $0xFFFFF086;
	s6 =	sadd.s32 @!p0 s3, s7;
	s7 =	simm.s32 @!p0 $0x108  }
0x21: {  	s3 =	sadd.s32 s3, s9;
	s6 =	sadd.s32 @!p0 $0x88, s6;
	s7 =	simm.s32 @p2 $0x1082  }
0x22: {  	[simem:s7], [sflag:s8] =	dma.local @!p0 [hbm:s6], $0xF7A  }
0x23: {  	s9 =	sor.u32 $0xD0000000, s2;
	s6 =	simm.s32 $0x108;
	_ =	swait.ge @!p0 [sflag:s8], $0x0  }
0x24: {  	s3 =	sadd.s32 $0x88, s3;
	s6 =	simm.s32 @!p1 $0x1082;
	[sflag:s4] =	ssyncset.s32 $0xFFFFF086  }
0x25: {  	[simem:s6], [sflag:s4] =	dma.local [hbm:s3], $0xF7A  }
0x26: {  	[smem:$0x3F9B] =	sst s1;
	(tag) =	ssettag s2;
	_ =	strace s9  }
0x27: {  	s1 =	sld [smem:$0x3FAB]  }
0x28: {  	s2 =	sld [smem:$0x3FAC]  }
0x29: {  	s4 =	sld [smem:$0x3FAE]  }
0x2a: {  	p0 =	seq.s32 s5, $0x0;
	s5 =	sld [smem:$0x3FAF]  }
0x2b: {  	s6 =	sld [smem:$0x3FB0]  }
0x2c: {  	s7 =	sld [smem:$0x3FB1]  }
0x2d: {  	s3 =	simm.s32 $0x108;
	s8 =	sld [smem:$0x3FB2]  }
0x2e: {  	s3 =	simm.s32 @!p0 $0x1082;
	s9 =	sld [smem:$0x3FB3]  }
0x2f: {  	lr =	sadd.s32 s0, s3;
	s0 =	sld [smem:$0x3FAA]  }
0x30: {  	s3 =	sld [smem:$0x3FAD]  }
0x31: {  	[smem:$0x3FB6] =	sst s10  }
0x32: {  	s10 =	sld [smem:$0x3FB4];
	_ =	sdelay $0x3  }
0x33: {  	p0 =	seq.s32 s10, $0x1;
	s10 =	sld [smem:$0x3FB6];
	_ =	sdelay $0x3  }
0x34: {  	[smem:$0x3FB6] =	sst s10  }
0x35: {  	s10 =	sld [smem:$0x3FB5];
	_ =	sdelay $0x3  }
0x36: {  	p1 =	seq.s32 s10, $0x1;
	s10 =	sld [smem:$0x3FB6];
	_ =	sdelay $0x3  }
0x37: {  	[smem:$0x3FB6] =	sst s10  }
0x38: {  	s10 =	sld [smem:$0x3FB7]  }
0x39: {  	_ = 	snop;
	(pc) =	sbr.ind lr, $3  }
0x3a: {  	_ = 	snop  }
0x3b: {  	_ = 	snop  }
0x3c: {  	p2 =	seq.s32 s10, $0x1;
	s10 =	sld [smem:$0x3FB6]  }
0x3d: {  	_ =	shalt  }
0x3e: {  	_ =	shalt  }
0x3f: {  	_ =	shalt  }
0x40: {  	_ =	shalt  }
0x41: {  	_ =	shalt  }
0x42: {  	_ =	shalt  }
0x43: {  	_ =	shalt  }
0x44: {  	_ =	shalt  }
0x45: {  	_ =	shalt  }
0x46: {  	_ =	shalt  }
0x47: {  	_ =	shalt  }
0x48: {  	_ =	shalt  }
0x49: {  	_ =	shalt  }
0x4a: {  	_ =	shalt  }
0x4b: {  	_ =	shalt  }
0x4c: {  	_ =	shalt  }
0x4d: {  	_ =	shalt  }
0x4e: {  	_ =	shalt  }
0x4f: {  	_ =	shalt  }
0x50: {  	_ =	shalt  }
0x51: {  	_ =	shalt  }
0x52: {  	_ =	shalt  }
0x53: {  	_ =	shalt  }
0x54: {  	_ =	shalt  }
0x55: {  	_ =	shalt  }
0x56: {  	_ =	shalt  }
0x57: {  	_ =	shalt  }
0x58: {  	_ =	shalt  }
0x59: {  	_ =	shalt  }
0x5a: {  	_ =	shalt  }
0x5b: {  	_ =	shalt  }
0x5c: {  	_ =	shalt  }
0x5d: {  	_ =	shalt  }
0x5e: {  	_ =	shalt  }
0x5f: {  	_ =	shalt  }
0x60: {  	_ =	shalt  }
0x61: {  	_ =	shalt  }
0x62: {  	_ =	shalt  }
0x63: {  	_ =	shalt  }
0x64: {  	_ =	shalt  }
0x65: {  	_ =	shalt  }
0x66: {  	_ =	shalt  }
0x67: {  	_ =	shalt  }
0x68: {  	_ =	shalt  }
0x69: {  	_ =	shalt  }
0x6a: {  	_ =	shalt  }
0x6b: {  	_ =	shalt  }
0x6c: {  	_ =	shalt  }
0x6d: {  	_ =	shalt  }
0x6e: {  	_ =	shalt  }
0x6f: {  	_ =	shalt  }
0x70: {  	_ =	shalt  }
0x71: {  	_ =	shalt  }
0x72: {  	_ =	shalt  }
0x73: {  	_ =	shalt  }
0x74: {  	_ =	shalt  }
0x75: {  	_ =	shalt  }
0x76: {  	_ =	shalt  }
0x77: {  	_ =	shalt  }
0x78: {  	_ =	shalt  }
0x79: {  	_ =	shalt  }
0x7a: {  	_ =	shalt  }
0x7b: {  	_ =	shalt  }
0x7c: {  	_ =	shalt  }
0x7d: {  	_ =	shalt  }
0x7e: {  	_ =	shalt  }
0x7f: {  	_ =	shalt  }
0x80: {  	_ =	shalt  }
0x81: {  	_ =	shalt  }
0x82: {  	_ =	shalt  }
0x83: {  	_ =	shalt  }
0x84: {  	_ =	shalt  }
0x85: {  	_ =	shalt  }
0x86: {  	_ =	shalt  }
0x87: {  	_ =	shalt  }
.Lfunc_end0:
.L_simem_size_0:
called_computation_lowered:
.L_overlay_start_0:
0x88: {  	s2 =	sld [smem:$0x3FD9]  }
0x89: {  	s3 =	sld [smem:$0x3FFE];
	_ =	sdelay $0x1  }
0x8a: {  	s1 =	srdreg.scid  }
0x8b: {  	s0 =	sand.u32 $0x1, s1  }
0x8c: {  	s16 =	sshll.u32 s0, $0xA;
	s2 =	sadd.s32 s3, s2  }
0x8d: {  	s2 =	sadd.s32 s2, s16  }
0x8e: {  	[smem:$0x3FC2] =	sst s2  }
0x8f: {  	_ = 	snop  }
0x90: {  	(tm) =	ssettm $0x1  }
0x91: {  	s17 =	sld [smem:$0x3FFB];
	_ =	sdelay $0x3  }
0x92: {  	_ =	strace s17  }
0x93: {  	s2 =	sld [smem:$0x3FFC];
	_ =	sdelay $0x3  }
0x94: {  	_ =	strace s2  }
0x95: {  	s2 =	sld [smem:$0x3FFD];
	_ =	sdelay $0x3  }
0x96: {  	_ =	strace s2  }
0x97: {  	_ =	strace $0x8FFFFFFF  }
0x98: {  	s18 =	sld [smem:$0x3FDB];
	_ =	sdelay $0x1  }
0x99: {  	s19 =	simm.s32 $_scs_section_size  }
0x9a: {  	s4 =	simm.s32 $_size__tile_overlayer_lowered;
	s5 =	simm.s32 $_tile_overlayer_lowered  }
0x9b: {  	s22 =	simm.s32 $0x1BFF;
	s21 =	sshll.u32 s5, $0x1;
	s2 =	sadd.s32 s19, s18  }
0x9c: {  	s6 =	simm.s32 $0x0;
	s20 =	sshll.u32 s4, $0x1;
	s4 =	sadd.s32 s21, s2  }
0x9d: {  	[timem:s6], [sflag:s22] =	dma.local [hbm:s4], s20  }
0x9e: {  	_ =	swait.ge [sflag:s22], s20  }
0x9f: {  	s3 =	ssub.s32 $0x0, s20;
	[sflag:s22] =	ssyncset.done $0x0  }
0xa0: {  	[sflag:s22] =	ssyncadd.s32 s3;
	_ =	sdelay $0x1  }
0xa1: {  	s23 =	simm.s32 $0x1B8B  }
0xa2: {  	_ =	swait.ge [sflag:s23], $0x1  }
0xa3: {  	[sflag:s23] =	ssyncset.done $0x0  }
0xa4: {  	s25 =	simm.s32 $0x1B8E;
	s24 =	sld [smem:$0x3FFE];
	[sflag:s23] =	ssyncadd.s32 $0xFFFFFFFF  }
0xa5: {  	s26 =	simm.s32 $execute0_lowered;
	[smem:$0x3FD2] =	sst s25  }
0xa6: {  	s4 =	sshll.u32 s26, $0x1;
	_ =	strace $0x80000046;
	[dreg:$0x1] =	wrdreg $0xFFFFFFFF  }
0xa7: {  	s28 =	simm.s32 $_size_execute0_lowered;
	s2 =	sadd.s32 s2, s4;
	[dreg:$0x0] =	wrdreg $0x0  }
0xa8: {  	s4 =	sshll.u32 s28, $0x1;
	[dreg:$0x2] =	wrdreg s2  }
0xa9: {  	[dreg:$0x3] =	wrdreg s4  }
0xaa: {  	[dreg:$0x4] =	wrdreg $0xC0  }
0xab: {  	_ =	task [dreg:s6], $0x5FFFF  }
0xac: {  	[dreg:$0x1] =	wrdreg $0xFFFFFFFF  }
0xad: {  	[dreg:$0x0] =	wrdreg $0x60  }
0xae: {  	[dreg:$0x2] =	wrdreg s24  }
0xaf: {  	[dreg:$0x3] =	wrdreg $0x9  }
0xb0: {  	_ =	task.clear_ibuf [dreg:s6], $0x4FFFF;
	_ =	strace $0x90000046  }
0xb1: {  	s29 =	simm.s32 $0x9;
	_ =	strace $0x80000048  }
0xb2: {  	_ =	swait.ge [sflag:s29], $0x1  }
0xb3: {  	[sflag:s29] =	ssyncadd.s32 $0xFFFFFFFF  }
0xb4: {  	_ =	strace $0x90000048  }
0xb5: {  	_ =	sfence  }
0xb6: {  	s30 =	sld [smem:$0x0];
	_ =	sdelay $0x2  }
0xb7: {  	s31 =	sshll.u32 s1, $0xD;
	s1 =	sshrl.u32 s1, $0x2  }
0xb8: {  	s3 =	sand.u32 $0x4000, s31;
	s1 =	sadd.s32 s1, s30  }
0xb9: {  	s0 =	sor.u32 s3, s0;
	s1 =	sshll.u32 s1, $0x11  }
0xba: {  	s0 =	sor.u32 s1, s0  }
0xbb: {  	s0 =	sadd.s32 $0x8F2B, s0  }
0xbc: {  	[sflag:s0] =	ssyncadd.remote.s32 $0x1  }
0xbd: {  	_ =	sfence.sel $0xFFFF  }
0xbe: {  	[dreg:$0x0] =	wrdreg $0xFFFFFFFF;
	(pc) =	sbr.abs _section_cstart, $3  }
0xbf: {  	[dreg:$0x1] =	wrdreg $0xFFFFFFFF  }
0xc0: {  	_ =	task.clear_ibuf [dreg:s6], $0x2FFFF;
	_ =	strace $0x9FFFFFFF  }
0xc1: {  	(tm) =	ssettm $0x7FFFFFFF  }
tec
execute0_lowered:
.L_overlay_start_1:
0x0: {  	(tag) =	ssettag $0x1  }
0x1: {  	s1 =	srdreg.scid;
	s0 =	stileid.u32  }
0x2: {  	s3 =	rddreg [dreg:$0x0];
	s8 =	simm.s32 $0x80;
	s9 =	simm.s32 $0x400  }
0x3: {  	s4 =	sand.u32 $0x1, s1;
	s2 =	sshll.u32 s0, $0x1;
	s1 =	rddreg [dreg:$0x1]  }
0x4: {  	s6 =	sshrl.u32 s0, $0x2;
	s5 =	sor.u32 s4, s2;
	s2 =	simm.s32 $0x0  }
0x5: {  	s6 =	smul.u32 $0x14000, s6;
	s4 =	ssub.s32 $0x2, s4;
	s7 =	sshll.u32 s5, $0x7  }
0x6: {  	[smem:$0x7FF] =	sst s2;
	s5 =	smul.u32 $0x4F0, s5;
	s7 =	sand.u32 $0x380, s7  }
0x7: {  	s31 =	sshrl.u32 s4, $0x1;
	_ =	strace $0x80000047;
	s6 =	sor.u32 s6, s7  }
0x8: {  	s5 =	sadd.s32 s5, s3;
	s7 =	ssub.s32 s4, s31;
	s6 =	sshrl.u32 s6, $0x3  }
0x9: {  	s6 =	sadd.s32 s6, s3;
	s3 =	sadd.s32 $0x1800, s5;
	s5 =	smax.u32 s7, $0x1  }
0xa: {  	v0 =	vimm.f32 $0.0e+00;
	v1 =	vimm.f32 $1.000000000e+00;
	s7 =	simm.s32 $0x2780;
	s4 =	sadd.s32 $0xB600, s6;
	s6 =	simm.s32 $0x1  }
.LBB2_1:
0xb: {  	s10 =	simm.s32 $0x40;
	s11 =	simm.s32 $0x0  }
.LBB2_2:
0xc: {  	p0 =	sne.s32 s10, $0x9FC0;
	[tilespmem:s11+$0x2780] =	vst v0;
	s11 =	smov.u32 s10;
	s10 =	sadd.s32 $0x40, s10  }
.Ltmp0:
0xd: {  	(pc) =	sbr.rel @p0 .LBB2_2-.Ltmp0, $2  }
0xe: {  	_ =	sdelay $0x2  }
0xf: {  	s11 =	sshra.s32 s11, $0x2  }
0x10: {  	[tilespmem:s11+$0x2780] =	vst v0;
	s10 =	simm.s32 $0x0  }
0x11: {  	[tilespmem:s10], [sflag:$0x1] =	stream.linear.gather [hbm4b:s3+s10], $0x2780, $0x38;
	[tilespmem:$0x4F80] =	vst v63  }
0x12: {  	_ =	swait.ge [sflag:s6], $0x2780  }
0x13: {  	[sflag:s6] =	ssyncset.done $0x0  }
0x14: {  	s11 =	simm.s32 $0x0;
	s10 =	simm.s32 $0x40;
	[sflag:s6] =	ssyncadd.s32 $0xFFFFD880  }
.LBB2_4:
0x15: {  	p0 =	sne.s32 s10, $0x9DC0;
	v2 =	vld [tilespmem:s11+$0x0];
	_ =	sdelay $0x3  }
.Ltmp1:
0x16: {  	(pc) =	sbr.rel @p0 .LBB2_4-.Ltmp1, $2  }
0x17: {  	_ =	sdelay $0x2  }
0x18: {  	s11 =	sshra.s32 s10, $0x2;
	s10 =	sadd.s32 $0x40, s10;
	[tilespmem:v2+s7+$0x0] =	vst.idx.add.f32.msk $0xffff, v1  }
0x19: {  	v2 =	vld [tilespmem:s11+$0x0];
	_ =	sdelay $0x5  }
0x1a: {  	s2 =	sadd.s32 $0x1, s2  }
0x1b: {  	p0 =	sne.s32 s2, s5  }
.Ltmp2:
0x1c: {  	[tilespmem:v2+s7+$0x0] =	vst.idx.add.f32.msk $0xffff, v1;
	(pc) =	sbr.rel @p0 .LBB2_1-.Ltmp2, $4  }
0x1d: {  	[hbm4b:s4+s8] =	stream.strided.scatter [tilespmem:s7], [sflag:$0x1], $0x2800, s9, s8, $0x38;
	[tilespmem:$0x4F80] =	vst v63  }
0x1e: {  	_ =	swait.ge [sflag:s6], $0x2800  }
0x1f: {  	[sflag:s6] =	ssyncset.done $0x0  }
0x20: {  	[sflag:s6] =	ssyncadd.s32 $0xFFFFD800  }
0x21: {  	_ =	sfence.sel $0x180000  }
0x22: {  	[bflag:$0x0] =	sbarrier.arrive $0xFFFF  }
0x23: {  	p0 =	sne.s32 s0, $0x0;
	_ =	strace $0x90000047  }
0x24: {  	s0 =	sadd.s32 @!p0 $0x100000, s1;
	[bflag:$0x2] =	sbarrier.arrive $0xFFFF  }
0x25: {  	[sflag:s0] =	ssyncadd.tile.s32 @!p0 $0x1;
	_ =	shalt  }
.Lfunc_end2:
_tile_overlayer_lowered:
.L_overlay_start_2:
0x26: {  	(tag) =	ssettag $0x2  }
0x27: {  	s0 =	rddreg [dreg:$0x0];
	s2 =	stileid.u32  }
0x28: {  	s1 =	rddreg [dreg:$0x1];
	p0 =	sne.s32 s2, $0x0  }
0x29: {  	s3 =	rddreg [dreg:$0x2];
	[bflag:$0x3] =	sbarrier.arrive $0xFFFF;
	s2 =	simm.s32 @!p0 $0x1C01  }
0x2a: {  	[timem:s3], [sflag:s2] =	dma.local @!p0 [hbm:s0], s1  }
0x2b: {  	s0 =	simm.s32 @!p0 $0x1  }
0x2c: {  	_ =	swait.ge @!p0 [sflag:s0], s1  }
0x2d: {  	s1 =	ssub.s32 @!p0 $0x0, s1;
	[sflag:s0] =	ssyncset.done @!p0 $0x0  }
0x2e: {  	[sflag:s0] =	ssyncadd.s32 @!p0 s1  }
0x2f: {  	[bflag:$0x3] =	sbarrier.arrive $0xFFFF  }
0x30: {  	_ =	shalt  }

</sc_bundles>
